<compile_context>
chip_gen: v7x
topology: tpu7x:2x2x1
jax: 0.10.2.dev20260603
libtpu: 0.0.44.dev20260713+nightly
codegen_flags: <defaults>
</compile_context>

<pallas_src>
import jax
import jax.numpy as jnp
from jax.experimental import pallas as pl
from jax.experimental.pallas import tpu as pltpu

_BR = 4
_LOOK = 8
_D = _BR * (_LOOK + 1)
_BM = 64


def _height_body(idx_ref, table_ref, lat_ref, out_ref, wbuf, sems):
    i = pl.program_id(0)
    n_steps = pl.num_programs(0)

    def start(r, slot):
        pltpu.make_async_copy(
            table_ref.at[pl.ds(idx_ref[r], 1)],
            wbuf.at[pl.ds(slot, 1)],
            sems.at[slot],
        ).start()

    @pl.when(i == 0)
    def _():
        for r in range(_BR * _LOOK):
            start(r, r % _D)

    @pl.when(i + _LOOK < n_steps)
    def _():
        for j in range(_BR):
            r = (i + _LOOK) * _BR + j
            start(r, lax.rem(r, _D))

    lat = lat_ref[...]
    for j in range(_BR):
        r = i * _BR + j
        slot = lax.rem(r, _D)
        pltpu.make_async_copy(
            table_ref.at[pl.ds(idx_ref[r], 1)],
            wbuf.at[pl.ds(slot, 1)],
            sems.at[slot],
        ).wait()
        w = wbuf[pl.ds(slot, 1)][0]
        out_ref[:, j * 32:(j + 1) * 32] = jnp.dot(
            lat, w, preferred_element_type=jnp.float32
        )


def _baseline_body(lat_ref, wbt_ref, out_ref):
    out_ref[...] = jnp.dot(
        lat_ref[...], wbt_ref[...], preferred_element_type=jnp.float32
    )


from jax import lax


def kernel(latent, regions_oi, delta_height_weight, delta_baseline_weight):
    n_cells, n_latent = latent.shape
    n_regions, _, n_comp = delta_height_weight.shape
    n_oi = regions_oi.shape[0]
    n_flat = n_oi * n_comp

    grid_spec = pltpu.PrefetchScalarGridSpec(
        num_scalar_prefetch=1,
        grid=(n_oi // _BR,),
        in_specs=[
            pl.BlockSpec(memory_space=pl.ANY),
            pl.BlockSpec((n_cells, n_latent), lambda i, idx_ref: (0, 0)),
        ],
        out_specs=pl.BlockSpec(
            (n_cells, _BR * n_comp), lambda i, idx_ref: (0, i)
        ),
        scratch_shapes=[
            pltpu.VMEM((_D, n_latent, n_comp), jnp.float32),
            pltpu.SemaphoreType.DMA((_D,)),
        ],
    )
    h2 = pl.pallas_call(
        _height_body,
        grid_spec=grid_spec,
        out_shape=jax.ShapeDtypeStruct((n_cells, n_flat), jnp.float32),
    )(regions_oi, delta_height_weight, latent)
    delta_height = h2.reshape(n_cells, n_oi, n_comp)

    n_full = delta_baseline_weight.shape[0]
    wbt = delta_baseline_weight.T
    delta_baseline = pl.pallas_call(
        _baseline_body,
        grid=(n_cells // _BM,),
        in_specs=[
            pl.BlockSpec((_BM, n_latent), lambda m: (m, 0)),
            pl.BlockSpec((n_latent, n_full), lambda m: (0, 0)),
        ],
        out_specs=pl.BlockSpec((_BM, n_full), lambda m: (m, 0)),
        out_shape=jax.ShapeDtypeStruct((n_cells, n_full), jnp.float32),
    )(latent, wbt)

    return (delta_height, delta_baseline)

# --- scband reference (transcript-rebuilt; emitter-appended) ---
"""Pipeline reference for scband-model-42219528520003 (READ-ONLY COPY).

The authoritative reference and input builder live on the scoring server;
editing this copy changes nothing except your own understanding.
"""

import jax, jax.numpy as jnp
import numpy as np
import math

N_REGIONS = 50000
N_LATENT = 32
N_COMP = 32
N_CELLS = 512
N_REGIONS_OI = 512


def setup_inputs(seed: int = 0) -> dict:
    key = jax.random.key(seed)
    k1, k2, k3, k4 = jax.random.split(key, 4)
    latent = jax.random.normal(k1, (N_CELLS, N_LATENT), dtype=jnp.float32)
    regions_oi = jax.random.randint(k2, (N_REGIONS_OI,), 0, N_REGIONS, dtype=jnp.int32)
    # EmbeddingTensor weight for delta_height: [n_regions, n_latent, n_output_components]
    # (zero-init in the original; small random here so the op is non-degenerate)
    delta_height_weight = jax.random.normal(k3, (N_REGIONS, N_LATENT, N_COMP), dtype=jnp.float32) * 0.02
    # dense parameter delta_baseline_weight: [n_regions, n_latent], uniform(-stdv, stdv)
    stdv = 1.0 / math.sqrt(N_LATENT)
    delta_baseline_weight = jax.random.uniform(k4, (N_REGIONS, N_LATENT), dtype=jnp.float32, minval=-stdv, maxval=stdv)
    return {
        "latent": latent,
        "regions_oi": regions_oi,
        "delta_height_weight": delta_height_weight,
        "delta_baseline_weight": delta_baseline_weight,
    }


def reference(latent, regions_oi, delta_height_weight, delta_baseline_weight):
    # EmbeddingTensor lookup: gather per-region weight tensors [R, n_latent, n_comp]
    W = jnp.take(delta_height_weight, regions_oi, axis=0)
    # torch.matmul(latent.unsqueeze(1).unsqueeze(2), W).squeeze(-2)
    # [n_cells,1,1,L] @ [R,L,C] -> broadcast batch -> [n_cells,R,1,C] -> [n_cells,R,C]
    delta_height = jnp.squeeze(jnp.matmul(latent[:, None, None, :], W), -2)
    # torch.matmul(latent.unsqueeze(1), delta_baseline_weight.T).squeeze(-2)
    delta_baseline = jnp.squeeze(jnp.matmul(latent[:, None, :], delta_baseline_weight.T), -2)
    return (delta_height, delta_baseline)

if __name__ == "__main__":
    import jax
    _d = setup_inputs()
    print(jax.jit(kernel)(*tuple(_d.values())))

</pallas_src>

<mosaic_0001>
module attributes {stable_mosaic.version = 14 : i64} {
  func.func @_baseline_body(%arg0: i32, %arg1: memref<64x32xf32, #tpu.memory_space<vmem>>, %arg2: memref<32x50000xf32, #tpu.memory_space<vmem>>, %arg3: memref<64x50000xf32, #tpu.memory_space<vmem>>) attributes {dimension_semantics = [#tpu.dimension_semantics<arbitrary>], iteration_bounds = array<i64: 8>, scalar_prefetch = 0 : i64, scratch_operands = 0 : i64, tpu.core_type = #tpu.core_type<tc>, window_params = [{transform_indices = @transform_0, window_bounds = array<i64: 64, 32>}, {pipeline_mode = #tpu.pipeline_mode<synchronous>, transform_indices = @transform_1, window_bounds = array<i64: 32, 50000>}, {transform_indices = @transform_2, window_bounds = array<i64: 64, 50000>}]} {
    %get3A = arith.constant 0 : index
    %get3A_0 = arith.constant 0 : index
    %get3A_1 = vector.load %arg1[%get3A, %get3A_0] : memref<64x32xf32, #tpu.memory_space<vmem>>, vector<64x32xf32>
    %get3A_2 = arith.constant 0 : index
    %get3A_3 = arith.constant 0 : index
    %get3A_4 = vector.load %arg2[%get3A_2, %get3A_3] : memref<32x50000xf32, #tpu.memory_space<vmem>>, vector<32x50000xf32>
    %dot_general3A = arith.constant dense<0.000000e+00> : vector<64x50000xf32>
    %dot_general3A_5 = tpu.matmul %get3A_1, %get3A_4, %dot_general3A {dimension_numbers = #tpu.dot_dimension_numbers<[1], [0], [0], [1], [0, 0, 1, 1], [], []>, transpose_lhs_hint = false} : vector<64x32xf32>, vector<32x50000xf32>, vector<64x50000xf32> -> vector<64x50000xf32>
    %swap3A = arith.constant 0 : index
    %swap3A_6 = arith.constant 0 : index
    %swap3A_7 = vector.load %arg3[%swap3A, %swap3A_6] : memref<64x50000xf32, #tpu.memory_space<vmem>>, vector<64x50000xf32>
    tpu.vector_store %arg3[%swap3A, %swap3A_6], %dot_general3A_5 {strides = array<i32>} : memref<64x50000xf32, #tpu.memory_space<vmem>>, vector<64x50000xf32>,
    return
  }
  func.func @transform_0(%arg0: i32) -> (i32, i32) {
    %c0_i32 = arith.constant 0 : i32
    %c0_i32_0 = arith.constant 0 : i32
    return %arg0, %c0_i32 : i32, i32
  }
  func.func @transform_1(%arg0: i32) -> (i32, i32) {
    %c0_i32 = arith.constant 0 : i32
    %c0_i32_0 = arith.constant 0 : i32
    %c0_i32_1 = arith.constant 0 : i32
    return %c0_i32, %c0_i32_0 : i32, i32
  }
  func.func @transform_2(%arg0: i32) -> (i32, i32) {
    %c0_i32 = arith.constant 0 : i32
    %c0_i32_0 = arith.constant 0 : i32
    return %arg0, %c0_i32 : i32, i32
  }
}

module attributes {stable_mosaic.version = 14 : i64} {
  func.func @_height_body(%arg0: i32, %arg1: memref<512xi32, #tpu.memory_space<smem>>, %arg2: memref<50000x32x32xf32, #tpu.memory_space<any>>, %arg3: memref<512x32xf32, #tpu.memory_space<vmem>>, %arg4: memref<512x128xf32, #tpu.memory_space<vmem>>, %arg5: memref<36x32x32xf32, #tpu.memory_space<vmem>>, %arg6: memref<36x!tpu.dma_semaphore, #tpu.memory_space<semaphore_mem>>) attributes {dimension_semantics = [#tpu.dimension_semantics<arbitrary>], iteration_bounds = array<i64: 128>, scalar_prefetch = 1 : i64, scratch_operands = 2 : i64, tpu.core_type = #tpu.core_type<tc>, window_params = [{}, {pipeline_mode = #tpu.pipeline_mode<synchronous>, transform_indices = @transform_1, window_bounds = array<i64: 512, 32>}, {transform_indices = @transform_2, window_bounds = array<i64: 512, 128>}]} {
    %eq3A = arith.constant 0 : i32
    %eq3A_0 = arith.cmpi eq, %arg0, %eq3A : i32
    %convert_element_type3A = arith.extui %eq3A_0 : i1 to i32
    %cond3A = arith.constant 0 : i32
    %cond3A_1 = arith.cmpi ne, %convert_element_type3A, %cond3A : i32
    scf.if %cond3A_1 {
      %get3A_107 = arith.constant 0 : index
      %get3A_108 = memref.load %arg1[%get3A_107] : memref<512xi32, #tpu.memory_space<smem>>
      %dma_start3A = arith.constant 0 : i32
      %dma_start3A_109 = tpu.memref_slice %arg6[%dma_start3A] : memref<36x!tpu.dma_semaphore, #tpu.memory_space<semaphore_mem>> -> memref<1x!tpu.dma_semaphore, #tpu.memory_space<semaphore_mem>>
      %dma_start3A_110 = tpu.memref_squeeze %dma_start3A_109 : memref<1x!tpu.dma_semaphore, #tpu.memory_space<semaphore_mem>> -> memref<!tpu.dma_semaphore, #tpu.memory_space<semaphore_mem>>
      %dma_start3A_111 = arith.constant 0 : i32
      %dma_start3A_112 = arith.constant 0 : i32
      %dma_start3A_113 = arith.constant 0 : i32
      %dma_start3A_114 = tpu.memref_slice %arg5[%dma_start3A_111, %dma_start3A_112, %dma_start3A_113] : memref<36x32x32xf32, #tpu.memory_space<vmem>> -> memref<1x32x32xf32, #tpu.memory_space<vmem>>
      %dma_start3A_115 = arith.constant 0 : i32
      %dma_start3A_116 = arith.constant 0 : i32
      %dma_start3A_117 = tpu.memref_slice %arg2[%get3A_108, %dma_start3A_115, %dma_start3A_116] : memref<50000x32x32xf32, #tpu.memory_space<any>> -> memref<1x32x32xf32, #tpu.memory_space<any>>
      tpu.enqueue_dma source(%dma_start3A_117 : memref<1x32x32xf32, #tpu.memory_space<any>>) target(%dma_start3A_114 : memref<1x32x32xf32, #tpu.memory_space<vmem>>) target_semaphore(%dma_start3A_110 : memref<!tpu.dma_semaphore, #tpu.memory_space<semaphore_mem>>)
      %get3A_118 = arith.constant 1 : index
      %get3A_119 = memref.load %arg1[%get3A_118] : memref<512xi32, #tpu.memory_space<smem>>
      %dma_start3A_120 = arith.constant 1 : i32
      %dma_start3A_121 = tpu.memref_slice %arg6[%dma_start3A_120] : memref<36x!tpu.dma_semaphore, #tpu.memory_space<semaphore_mem>> -> memref<1x!tpu.dma_semaphore, #tpu.memory_space<semaphore_mem>>
      %dma_start3A_122 = tpu.memref_squeeze %dma_start3A_121 : memref<1x!tpu.dma_semaphore, #tpu.memory_space<semaphore_mem>> -> memref<!tpu.dma_semaphore, #tpu.memory_space<semaphore_mem>>
      %dma_start3A_123 = arith.constant 1 : i32
      %dma_start3A_124 = arith.constant 0 : i32
      %dma_start3A_125 = arith.constant 0 : i32
      %dma_start3A_126 = tpu.memref_slice %arg5[%dma_start3A_123, %dma_start3A_124, %dma_start3A_125] : memref<36x32x32xf32, #tpu.memory_space<vmem>> -> memref<1x32x32xf32, #tpu.memory_space<vmem>>
      %dma_start3A_127 = arith.constant 0 : i32
      %dma_start3A_128 = arith.constant 0 : i32
      %dma_start3A_129 = tpu.memref_slice %arg2[%get3A_119, %dma_start3A_127, %dma_start3A_128] : memref<50000x32x32xf32, #tpu.memory_space<any>> -> memref<1x32x32xf32, #tpu.memory_space<any>>
      tpu.enqueue_dma source(%dma_start3A_129 : memref<1x32x32xf32, #tpu.memory_space<any>>) target(%dma_start3A_126 : memref<1x32x32xf32, #tpu.memory_space<vmem>>) target_semaphore(%dma_start3A_122 : memref<!tpu.dma_semaphore, #tpu.memory_space<semaphore_mem>>)
      %get3A_130 = arith.constant 2 : index
      %get3A_131 = memref.load %arg1[%get3A_130] : memref<512xi32, #tpu.memory_space<smem>>
      %dma_start3A_132 = arith.constant 2 : i32
      %dma_start3A_133 = tpu.memref_slice %arg6[%dma_start3A_132] : memref<36x!tpu.dma_semaphore, #tpu.memory_space<semaphore_mem>> -> memref<1x!tpu.dma_semaphore, #tpu.memory_space<semaphore_mem>>
      %dma_start3A_134 = tpu.memref_squeeze %dma_start3A_133 : memref<1x!tpu.dma_semaphore, #tpu.memory_space<semaphore_mem>> -> memref<!tpu.dma_semaphore, #tpu.memory_space<semaphore_mem>>
      %dma_start3A_135 = arith.constant 2 : i32
      %dma_start3A_136 = arith.constant 0 : i32
      %dma_start3A_137 = arith.constant 0 : i32
      %dma_start3A_138 = tpu.memref_slice %arg5[%dma_start3A_135, %dma_start3A_136, %dma_start3A_137] : memref<36x32x32xf32, #tpu.memory_space<vmem>> -> memref<1x32x32xf32, #tpu.memory_space<vmem>>
      %dma_start3A_139 = arith.constant 0 : i32
      %dma_start3A_140 = arith.constant 0 : i32
      %dma_start3A_141 = tpu.memref_slice %arg2[%get3A_131, %dma_start3A_139, %dma_start3A_140] : memref<50000x32x32xf32, #tpu.memory_space<any>> -> memref<1x32x32xf32, #tpu.memory_space<any>>
      tpu.enqueue_dma source(%dma_start3A_141 : memref<1x32x32xf32, #tpu.memory_space<any>>) target(%dma_start3A_138 : memref<1x32x32xf32, #tpu.memory_space<vmem>>) target_semaphore(%dma_start3A_134 : memref<!tpu.dma_semaphore, #tpu.memory_space<semaphore_mem>>)
      %get3A_142 = arith.constant 3 : index
      %get3A_143 = memref.load %arg1[%get3A_142] : memref<512xi32, #tpu.memory_space<smem>>
      %dma_start3A_144 = arith.constant 3 : i32
      %dma_start3A_145 = tpu.memref_slice %arg6[%dma_start3A_144] : memref<36x!tpu.dma_semaphore, #tpu.memory_space<semaphore_mem>> -> memref<1x!tpu.dma_semaphore, #tpu.memory_space<semaphore_mem>>
      %dma_start3A_146 = tpu.memref_squeeze %dma_start3A_145 : memref<1x!tpu.dma_semaphore, #tpu.memory_space<semaphore_mem>> -> memref<!tpu.dma_semaphore, #tpu.memory_space<semaphore_mem>>
      %dma_start3A_147 = arith.constant 3 : i32
      %dma_start3A_148 = arith.constant 0 : i32
      %dma_start3A_149 = arith.constant 0 : i32
      %dma_start3A_150 = tpu.memref_slice %arg5[%dma_start3A_147, %dma_start3A_148, %dma_start3A_149] : memref<36x32x32xf32, #tpu.memory_space<vmem>> -> memref<1x32x32xf32, #tpu.memory_space<vmem>>
      %dma_start3A_151 = arith.constant 0 : i32
      %dma_start3A_152 = arith.constant 0 : i32
      %dma_start3A_153 = tpu.memref_slice %arg2[%get3A_143, %dma_start3A_151, %dma_start3A_152] : memref<50000x32x32xf32, #tpu.memory_space<any>> -> memref<1x32x32xf32, #tpu.memory_space<any>>
      tpu.enqueue_dma source(%dma_start3A_153 : memref<1x32x32xf32, #tpu.memory_space<any>>) target(%dma_start3A_150 : memref<1x32x32xf32, #tpu.memory_space<vmem>>) target_semaphore(%dma_start3A_146 : memref<!tpu.dma_semaphore, #tpu.memory_space<semaphore_mem>>)
      %get3A_154 = arith.constant 4 : index
      %get3A_155 = memref.load %arg1[%get3A_154] : memref<512xi32, #tpu.memory_space<smem>>
      %dma_start3A_156 = arith.constant 4 : i32
      %dma_start3A_157 = tpu.memref_slice %arg6[%dma_start3A_156] : memref<36x!tpu.dma_semaphore, #tpu.memory_space<semaphore_mem>> -> memref<1x!tpu.dma_semaphore, #tpu.memory_space<semaphore_mem>>
      %dma_start3A_158 = tpu.memref_squeeze %dma_start3A_157 : memref<1x!tpu.dma_semaphore, #tpu.memory_space<semaphore_mem>> -> memref<!tpu.dma_semaphore, #tpu.memory_space<semaphore_mem>>
      %dma_start3A_159 = arith.constant 4 : i32
      %dma_start3A_160 = arith.constant 0 : i32
      %dma_start3A_161 = arith.constant 0 : i32
      %dma_start3A_162 = tpu.memref_slice %arg5[%dma_start3A_159, %dma_start3A_160, %dma_start3A_161] : memref<36x32x32xf32, #tpu.memory_space<vmem>> -> memref<1x32x32xf32, #tpu.memory_space<vmem>>
      %dma_start3A_163 = arith.constant 0 : i32
      %dma_start3A_164 = arith.constant 0 : i32
      %dma_start3A_165 = tpu.memref_slice %arg2[%get3A_155, %dma_start3A_163, %dma_start3A_164] : memref<50000x32x32xf32, #tpu.memory_space<any>> -> memref<1x32x32xf32, #tpu.memory_space<any>>
      tpu.enqueue_dma source(%dma_start3A_165 : memref<1x32x32xf32, #tpu.memory_space<any>>) target(%dma_start3A_162 : memref<1x32x32xf32, #tpu.memory_space<vmem>>) target_semaphore(%dma_start3A_158 : memref<!tpu.dma_semaphore, #tpu.memory_space<semaphore_mem>>)
      %get3A_166 = arith.constant 5 : index
      %get3A_167 = memref.load %arg1[%get3A_166] : memref<512xi32, #tpu.memory_space<smem>>
      %dma_start3A_168 = arith.constant 5 : i32
      %dma_start3A_169 = tpu.memref_slice %arg6[%dma_start3A_168] : memref<36x!tpu.dma_semaphore, #tpu.memory_space<semaphore_mem>> -> memref<1x!tpu.dma_semaphore, #tpu.memory_space<semaphore_mem>>
      %dma_start3A_170 = tpu.memref_squeeze %dma_start3A_169 : memref<1x!tpu.dma_semaphore, #tpu.memory_space<semaphore_mem>> -> memref<!tpu.dma_semaphore, #tpu.memory_space<semaphore_mem>>
      %dma_start3A_171 = arith.constant 5 : i32
      %dma_start3A_172 = arith.constant 0 : i32
      %dma_start3A_173 = arith.constant 0 : i32
      %dma_start3A_174 = tpu.memref_slice %arg5[%dma_start3A_171, %dma_start3A_172, %dma_start3A_173] : memref<36x32x32xf32, #tpu.memory_space<vmem>> -> memref<1x32x32xf32, #tpu.memory_space<vmem>>
      %dma_start3A_175 = arith.constant 0 : i32
      %dma_start3A_176 = arith.constant 0 : i32
      %dma_start3A_177 = tpu.memref_slice %arg2[%get3A_167, %dma_start3A_175, %dma_start3A_176] : memref<50000x32x32xf32, #tpu.memory_space<any>> -> memref<1x32x32xf32, #tpu.memory_space<any>>
      tpu.enqueue_dma source(%dma_start3A_177 : memref<1x32x32xf32, #tpu.memory_space<any>>) target(%dma_start3A_174 : memref<1x32x32xf32, #tpu.memory_space<vmem>>) target_semaphore(%dma_start3A_170 : memref<!tpu.dma_semaphore, #tpu.memory_space<semaphore_mem>>)
      %get3A_178 = arith.constant 6 : index
      %get3A_179 = memref.load %arg1[%get3A_178] : memref<512xi32, #tpu.memory_space<smem>>
      %dma_start3A_180 = arith.constant 6 : i32
      %dma_start3A_181 = tpu.memref_slice %arg6[%dma_start3A_180] : memref<36x!tpu.dma_semaphore, #tpu.memory_space<semaphore_mem>> -> memref<1x!tpu.dma_semaphore, #tpu.memory_space<semaphore_mem>>
      %dma_start3A_182 = tpu.memref_squeeze %dma_start3A_181 : memref<1x!tpu.dma_semaphore, #tpu.memory_space<semaphore_mem>> -> memref<!tpu.dma_semaphore, #tpu.memory_space<semaphore_mem>>
      %dma_start3A_183 = arith.constant 6 : i32
      %dma_start3A_184 = arith.constant 0 : i32
      %dma_start3A_185 = arith.constant 0 : i32
      %dma_start3A_186 = tpu.memref_slice %arg5[%dma_start3A_183, %dma_start3A_184, %dma_start3A_185] : memref<36x32x32xf32, #tpu.memory_space<vmem>> -> memref<1x32x32xf32, #tpu.memory_space<vmem>>
      %dma_start3A_187 = arith.constant 0 : i32
      %dma_start3A_188 = arith.constant 0 : i32
      %dma_start3A_189 = tpu.memref_slice %arg2[%get3A_179, %dma_start3A_187, %dma_start3A_188] : memref<50000x32x32xf32, #tpu.memory_space<any>> -> memref<1x32x32xf32, #tpu.memory_space<any>>
      tpu.enqueue_dma source(%dma_start3A_189 : memref<1x32x32xf32, #tpu.memory_space<any>>) target(%dma_start3A_186 : memref<1x32x32xf32, #tpu.memory_space<vmem>>) target_semaphore(%dma_start3A_182 : memref<!tpu.dma_semaphore, #tpu.memory_space<semaphore_mem>>)
      %get3A_190 = arith.constant 7 : index
      %get3A_191 = memref.load %arg1[%get3A_190] : memref<512xi32, #tpu.memory_space<smem>>
      %dma_start3A_192 = arith.constant 7 : i32
      %dma_start3A_193 = tpu.memref_slice %arg6[%dma_start3A_192] : memref<36x!tpu.dma_semaphore, #tpu.memory_space<semaphore_mem>> -> memref<1x!tpu.dma_semaphore, #tpu.memory_space<semaphore_mem>>
      %dma_start3A_194 = tpu.memref_squeeze %dma_start3A_193 : memref<1x!tpu.dma_semaphore, #tpu.memory_space<semaphore_mem>> -> memref<!tpu.dma_semaphore, #tpu.memory_space<semaphore_mem>>
      %dma_start3A_195 = arith.constant 7 : i32
      %dma_start3A_196 = arith.constant 0 : i32
      %dma_start3A_197 = arith.constant 0 : i32
      %dma_start3A_198 = tpu.memref_slice %arg5[%dma_start3A_195, %dma_start3A_196, %dma_start3A_197] : memref<36x32x32xf32, #tpu.memory_space<vmem>> -> memref<1x32x32xf32, #tpu.memory_space<vmem>>
      %dma_start3A_199 = arith.constant 0 : i32
      %dma_start3A_200 = arith.constant 0 : i32
      %dma_start3A_201 = tpu.memref_slice %arg2[%get3A_191, %dma_start3A_199, %dma_start3A_200] : memref<50000x32x32xf32, #tpu.memory_space<any>> -> memref<1x32x32xf32, #tpu.memory_space<any>>
      tpu.enqueue_dma source(%dma_start3A_201 : memref<1x32x32xf32, #tpu.memory_space<any>>) target(%dma_start3A_198 : memref<1x32x32xf32, #tpu.memory_space<vmem>>) target_semaphore(%dma_start3A_194 : memref<!tpu.dma_semaphore, #tpu.memory_space<semaphore_mem>>)
      %get3A_202 = arith.constant 8 : index
      %get3A_203 = memref.load %arg1[%get3A_202] : memref<512xi32, #tpu.memory_space<smem>>
      %dma_start3A_204 = arith.constant 8 : i32
      %dma_start3A_205 = tpu.memref_slice %arg6[%dma_start3A_204] : memref<36x!tpu.dma_semaphore, #tpu.memory_space<semaphore_mem>> -> memref<1x!tpu.dma_semaphore, #tpu.memory_space<semaphore_mem>>
      %dma_start3A_206 = tpu.memref_squeeze %dma_start3A_205 : memref<1x!tpu.dma_semaphore, #tpu.memory_space<semaphore_mem>> -> memref<!tpu.dma_semaphore, #tpu.memory_space<semaphore_mem>>
      %dma_start3A_207 = arith.constant 8 : i32
      %dma_start3A_208 = arith.constant 0 : i32
      %dma_start3A_209 = arith.constant 0 : i32
      %dma_start3A_210 = tpu.memref_slice %arg5[%dma_start3A_207, %dma_start3A_208, %dma_start3A_209] : memref<36x32x32xf32, #tpu.memory_space<vmem>> -> memref<1x32x32xf32, #tpu.memory_space<vmem>>
      %dma_start3A_211 = arith.constant 0 : i32
      %dma_start3A_212 = arith.constant 0 : i32
      %dma_start3A_213 = tpu.memref_slice %arg2[%get3A_203, %dma_start3A_211, %dma_start3A_212] : memref<50000x32x32xf32, #tpu.memory_space<any>> -> memref<1x32x32xf32, #tpu.memory_space<any>>
      tpu.enqueue_dma source(%dma_start3A_213 : memref<1x32x32xf32, #tpu.memory_space<any>>) target(%dma_start3A_210 : memref<1x32x32xf32, #tpu.memory_space<vmem>>) target_semaphore(%dma_start3A_206 : memref<!tpu.dma_semaphore, #tpu.memory_space<semaphore_mem>>)
      %get3A_214 = arith.constant 9 : index
      %get3A_215 = memref.load %arg1[%get3A_214] : memref<512xi32, #tpu.memory_space<smem>>
      %dma_start3A_216 = arith.constant 9 : i32
      %dma_start3A_217 = tpu.memref_slice %arg6[%dma_start3A_216] : memref<36x!tpu.dma_semaphore, #tpu.memory_space<semaphore_mem>> -> memref<1x!tpu.dma_semaphore, #tpu.memory_space<semaphore_mem>>
      %dma_start3A_218 = tpu.memref_squeeze %dma_start3A_217 : memref<1x!tpu.dma_semaphore, #tpu.memory_space<semaphore_mem>> -> memref<!tpu.dma_semaphore, #tpu.memory_space<semaphore_mem>>
      %dma_start3A_219 = arith.constant 9 : i32
      %dma_start3A_220 = arith.constant 0 : i32
      %dma_start3A_221 = arith.constant 0 : i32
      %dma_start3A_222 = tpu.memref_slice %arg5[%dma_start3A_219, %dma_start3A_220, %dma_start3A_221] : memref<36x32x32xf32, #tpu.memory_space<vmem>> -> memref<1x32x32xf32, #tpu.memory_space<vmem>>
      %dma_start3A_223 = arith.constant 0 : i32
      %dma_start3A_224 = arith.constant 0 : i32
      %dma_start3A_225 = tpu.memref_slice %arg2[%get3A_215, %dma_start3A_223, %dma_start3A_224] : memref<50000x32x32xf32, #tpu.memory_space<any>> -> memref<1x32x32xf32, #tpu.memory_space<any>>
      tpu.enqueue_dma source(%dma_start3A_225 : memref<1x32x32xf32, #tpu.memory_space<any>>) target(%dma_start3A_222 : memref<1x32x32xf32, #tpu.memory_space<vmem>>) target_semaphore(%dma_start3A_218 : memref<!tpu.dma_semaphore, #tpu.memory_space<semaphore_mem>>)
      %get3A_226 = arith.constant 10 : index
      %get3A_227 = memref.load %arg1[%get3A_226] : memref<512xi32, #tpu.memory_space<smem>>
      %dma_start3A_228 = arith.constant 10 : i32
      %dma_start3A_229 = tpu.memref_slice %arg6[%dma_start3A_228] : memref<36x!tpu.dma_semaphore, #tpu.memory_space<semaphore_mem>> -> memref<1x!tpu.dma_semaphore, #tpu.memory_space<semaphore_mem>>
      %dma_start3A_230 = tpu.memref_squeeze %dma_start3A_229 : memref<1x!tpu.dma_semaphore, #tpu.memory_space<semaphore_mem>> -> memref<!tpu.dma_semaphore, #tpu.memory_space<semaphore_mem>>
      %dma_start3A_231 = arith.constant 10 : i32
      %dma_start3A_232 = arith.constant 0 : i32
      %dma_start3A_233 = arith.constant 0 : i32
      %dma_start3A_234 = tpu.memref_slice %arg5[%dma_start3A_231, %dma_start3A_232, %dma_start3A_233] : memref<36x32x32xf32, #tpu.memory_space<vmem>> -> memref<1x32x32xf32, #tpu.memory_space<vmem>>
      %dma_start3A_235 = arith.constant 0 : i32
      %dma_start3A_236 = arith.constant 0 : i32
      %dma_start3A_237 = tpu.memref_slice %arg2[%get3A_227, %dma_start3A_235, %dma_start3A_236] : memref<50000x32x32xf32, #tpu.memory_space<any>> -> memref<1x32x32xf32, #tpu.memory_space<any>>
      tpu.enqueue_dma source(%dma_start3A_237 : memref<1x32x32xf32, #tpu.memory_space<any>>) target(%dma_start3A_234 : memref<1x32x32xf32, #tpu.memory_space<vmem>>) target_semaphore(%dma_start3A_230 : memref<!tpu.dma_semaphore, #tpu.memory_space<semaphore_mem>>)
      %get3A_238 = arith.constant 11 : index
      %get3A_239 = memref.load %arg1[%get3A_238] : memref<512xi32, #tpu.memory_space<smem>>
      %dma_start3A_240 = arith.constant 11 : i32
      %dma_start3A_241 = tpu.memref_slice %arg6[%dma_start3A_240] : memref<36x!tpu.dma_semaphore, #tpu.memory_space<semaphore_mem>> -> memref<1x!tpu.dma_semaphore, #tpu.memory_space<semaphore_mem>>
      %dma_start3A_242 = tpu.memref_squeeze %dma_start3A_241 : memref<1x!tpu.dma_semaphore, #tpu.memory_space<semaphore_mem>> -> memref<!tpu.dma_semaphore, #tpu.memory_space<semaphore_mem>>
      %dma_start3A_243 = arith.constant 11 : i32
      %dma_start3A_244 = arith.constant 0 : i32
      %dma_start3A_245 = arith.constant 0 : i32
      %dma_start3A_246 = tpu.memref_slice %arg5[%dma_start3A_243, %dma_start3A_244, %dma_start3A_245] : memref<36x32x32xf32, #tpu.memory_space<vmem>> -> memref<1x32x32xf32, #tpu.memory_space<vmem>>
      %dma_start3A_247 = arith.constant 0 : i32
      %dma_start3A_248 = arith.constant 0 : i32
      %dma_start3A_249 = tpu.memref_slice %arg2[%get3A_239, %dma_start3A_247, %dma_start3A_248] : memref<50000x32x32xf32, #tpu.memory_space<any>> -> memref<1x32x32xf32, #tpu.memory_space<any>>
      tpu.enqueue_dma source(%dma_start3A_249 : memref<1x32x32xf32, #tpu.memory_space<any>>) target(%dma_start3A_246 : memref<1x32x32xf32, #tpu.memory_space<vmem>>) target_semaphore(%dma_start3A_242 : memref<!tpu.dma_semaphore, #tpu.memory_space<semaphore_mem>>)
      %get3A_250 = arith.constant 12 : index
      %get3A_251 = memref.load %arg1[%get3A_250] : memref<512xi32, #tpu.memory_space<smem>>
      %dma_start3A_252 = arith.constant 12 : i32
      %dma_start3A_253 = tpu.memref_slice %arg6[%dma_start3A_252] : memref<36x!tpu.dma_semaphore, #tpu.memory_space<semaphore_mem>> -> memref<1x!tpu.dma_semaphore, #tpu.memory_space<semaphore_mem>>
      %dma_start3A_254 = tpu.memref_squeeze %dma_start3A_253 : memref<1x!tpu.dma_semaphore, #tpu.memory_space<semaphore_mem>> -> memref<!tpu.dma_semaphore, #tpu.memory_space<semaphore_mem>>
      %dma_start3A_255 = arith.constant 12 : i32
      %dma_start3A_256 = arith.constant 0 : i32
      %dma_start3A_257 = arith.constant 0 : i32
      %dma_start3A_258 = tpu.memref_slice %arg5[%dma_start3A_255, %dma_start3A_256, %dma_start3A_257] : memref<36x32x32xf32, #tpu.memory_space<vmem>> -> memref<1x32x32xf32, #tpu.memory_space<vmem>>
      %dma_start3A_259 = arith.constant 0 : i32
      %dma_start3A_260 = arith.constant 0 : i32
      %dma_start3A_261 = tpu.memref_slice %arg2[%get3A_251, %dma_start3A_259, %dma_start3A_260] : memref<50000x32x32xf32, #tpu.memory_space<any>> -> memref<1x32x32xf32, #tpu.memory_space<any>>
      tpu.enqueue_dma source(%dma_start3A_261 : memref<1x32x32xf32, #tpu.memory_space<any>>) target(%dma_start3A_258 : memref<1x32x32xf32, #tpu.memory_space<vmem>>) target_semaphore(%dma_start3A_254 : memref<!tpu.dma_semaphore, #tpu.memory_space<semaphore_mem>>)
      %get3A_262 = arith.constant 13 : index
      %get3A_263 = memref.load %arg1[%get3A_262] : memref<512xi32, #tpu.memory_space<smem>>
      %dma_start3A_264 = arith.constant 13 : i32
      %dma_start3A_265 = tpu.memref_slice %arg6[%dma_start3A_264] : memref<36x!tpu.dma_semaphore, #tpu.memory_space<semaphore_mem>> -> memref<1x!tpu.dma_semaphore, #tpu.memory_space<semaphore_mem>>
      %dma_start3A_266 = tpu.memref_squeeze %dma_start3A_265 : memref<1x!tpu.dma_semaphore, #tpu.memory_space<semaphore_mem>> -> memref<!tpu.dma_semaphore, #tpu.memory_space<semaphore_mem>>
      %dma_start3A_267 = arith.constant 13 : i32
      %dma_start3A_268 = arith.constant 0 : i32
      %dma_start3A_269 = arith.constant 0 : i32
      %dma_start3A_270 = tpu.memref_slice %arg5[%dma_start3A_267, %dma_start3A_268, %dma_start3A_269] : memref<36x32x32xf32, #tpu.memory_space<vmem>> -> memref<1x32x32xf32, #tpu.memory_space<vmem>>
      %dma_start3A_271 = arith.constant 0 : i32
      %dma_start3A_272 = arith.constant 0 : i32
      %dma_start3A_273 = tpu.memref_slice %arg2[%get3A_263, %dma_start3A_271, %dma_start3A_272] : memref<50000x32x32xf32, #tpu.memory_space<any>> -> memref<1x32x32xf32, #tpu.memory_space<any>>
      tpu.enqueue_dma source(%dma_start3A_273 : memref<1x32x32xf32, #tpu.memory_space<any>>) target(%dma_start3A_270 : memref<1x32x32xf32, #tpu.memory_space<vmem>>) target_semaphore(%dma_start3A_266 : memref<!tpu.dma_semaphore, #tpu.memory_space<semaphore_mem>>)
      %get3A_274 = arith.constant 14 : index
      %get3A_275 = memref.load %arg1[%get3A_274] : memref<512xi32, #tpu.memory_space<smem>>
      %dma_start3A_276 = arith.constant 14 : i32
      %dma_start3A_277 = tpu.memref_slice %arg6[%dma_start3A_276] : memref<36x!tpu.dma_semaphore, #tpu.memory_space<semaphore_mem>> -> memref<1x!tpu.dma_semaphore, #tpu.memory_space<semaphore_mem>>
      %dma_start3A_278 = tpu.memref_squeeze %dma_start3A_277 : memref<1x!tpu.dma_semaphore, #tpu.memory_space<semaphore_mem>> -> memref<!tpu.dma_semaphore, #tpu.memory_space<semaphore_mem>>
      %dma_start3A_279 = arith.constant 14 : i32
      %dma_start3A_280 = arith.constant 0 : i32
      %dma_start3A_281 = arith.constant 0 : i32
      %dma_start3A_282 = tpu.memref_slice %arg5[%dma_start3A_279, %dma_start3A_280, %dma_start3A_281] : memref<36x32x32xf32, #tpu.memory_space<vmem>> -> memref<1x32x32xf32, #tpu.memory_space<vmem>>
      %dma_start3A_283 = arith.constant 0 : i32
      %dma_start3A_284 = arith.constant 0 : i32
      %dma_start3A_285 = tpu.memref_slice %arg2[%get3A_275, %dma_start3A_283, %dma_start3A_284] : memref<50000x32x32xf32, #tpu.memory_space<any>> -> memref<1x32x32xf32, #tpu.memory_space<any>>
      tpu.enqueue_dma source(%dma_start3A_285 : memref<1x32x32xf32, #tpu.memory_space<any>>) target(%dma_start3A_282 : memref<1x32x32xf32, #tpu.memory_space<vmem>>) target_semaphore(%dma_start3A_278 : memref<!tpu.dma_semaphore, #tpu.memory_space<semaphore_mem>>)
      %get3A_286 = arith.constant 15 : index
      %get3A_287 = memref.load %arg1[%get3A_286] : memref<512xi32, #tpu.memory_space<smem>>
      %dma_start3A_288 = arith.constant 15 : i32
      %dma_start3A_289 = tpu.memref_slice %arg6[%dma_start3A_288] : memref<36x!tpu.dma_semaphore, #tpu.memory_space<semaphore_mem>> -> memref<1x!tpu.dma_semaphore, #tpu.memory_space<semaphore_mem>>
      %dma_start3A_290 = tpu.memref_squeeze %dma_start3A_289 : memref<1x!tpu.dma_semaphore, #tpu.memory_space<semaphore_mem>> -> memref<!tpu.dma_semaphore, #tpu.memory_space<semaphore_mem>>
      %dma_start3A_291 = arith.constant 15 : i32
      %dma_start3A_292 = arith.constant 0 : i32
      %dma_start3A_293 = arith.constant 0 : i32
      %dma_start3A_294 = tpu.memref_slice %arg5[%dma_start3A_291, %dma_start3A_292, %dma_start3A_293] : memref<36x32x32xf32, #tpu.memory_space<vmem>> -> memref<1x32x32xf32, #tpu.memory_space<vmem>>
      %dma_start3A_295 = arith.constant 0 : i32
      %dma_start3A_296 = arith.constant 0 : i32
      %dma_start3A_297 = tpu.memref_slice %arg2[%get3A_287, %dma_start3A_295, %dma_start3A_296] : memref<50000x32x32xf32, #tpu.memory_space<any>> -> memref<1x32x32xf32, #tpu.memory_space<any>>
      tpu.enqueue_dma source(%dma_start3A_297 : memref<1x32x32xf32, #tpu.memory_space<any>>) target(%dma_start3A_294 : memref<1x32x32xf32, #tpu.memory_space<vmem>>) target_semaphore(%dma_start3A_290 : memref<!tpu.dma_semaphore, #tpu.memory_space<semaphore_mem>>)
      %get3A_298 = arith.constant 16 : index
      %get3A_299 = memref.load %arg1[%get3A_298] : memref<512xi32, #tpu.memory_space<smem>>
      %dma_start3A_300 = arith.constant 16 : i32
      %dma_start3A_301 = tpu.memref_slice %arg6[%dma_start3A_300] : memref<36x!tpu.dma_semaphore, #tpu.memory_space<semaphore_mem>> -> memref<1x!tpu.dma_semaphore, #tpu.memory_space<semaphore_mem>>
      %dma_start3A_302 = tpu.memref_squeeze %dma_start3A_301 : memref<1x!tpu.dma_semaphore, #tpu.memory_space<semaphore_mem>> -> memref<!tpu.dma_semaphore, #tpu.memory_space<semaphore_mem>>
      %dma_start3A_303 = arith.constant 16 : i32
      %dma_start3A_304 = arith.constant 0 : i32
      %dma_start3A_305 = arith.constant 0 : i32
      %dma_start3A_306 = tpu.memref_slice %arg5[%dma_start3A_303, %dma_start3A_304, %dma_start3A_305] : memref<36x32x32xf32, #tpu.memory_space<vmem>> -> memref<1x32x32xf32, #tpu.memory_space<vmem>>
      %dma_start3A_307 = arith.constant 0 : i32
      %dma_start3A_308 = arith.constant 0 : i32
      %dma_start3A_309 = tpu.memref_slice %arg2[%get3A_299, %dma_start3A_307, %dma_start3A_308] : memref<50000x32x32xf32, #tpu.memory_space<any>> -> memref<1x32x32xf32, #tpu.memory_space<any>>
      tpu.enqueue_dma source(%dma_start3A_309 : memref<1x32x32xf32, #tpu.memory_space<any>>) target(%dma_start3A_306 : memref<1x32x32xf32, #tpu.memory_space<vmem>>) target_semaphore(%dma_start3A_302 : memref<!tpu.dma_semaphore, #tpu.memory_space<semaphore_mem>>)
      %get3A_310 = arith.constant 17 : index
      %get3A_311 = memref.load %arg1[%get3A_310] : memref<512xi32, #tpu.memory_space<smem>>
      %dma_start3A_312 = arith.constant 17 : i32
      %dma_start3A_313 = tpu.memref_slice %arg6[%dma_start3A_312] : memref<36x!tpu.dma_semaphore, #tpu.memory_space<semaphore_mem>> -> memref<1x!tpu.dma_semaphore, #tpu.memory_space<semaphore_mem>>
      %dma_start3A_314 = tpu.memref_squeeze %dma_start3A_313 : memref<1x!tpu.dma_semaphore, #tpu.memory_space<semaphore_mem>> -> memref<!tpu.dma_semaphore, #tpu.memory_space<semaphore_mem>>
      %dma_start3A_315 = arith.constant 17 : i32
      %dma_start3A_316 = arith.constant 0 : i32
      %dma_start3A_317 = arith.constant 0 : i32
      %dma_start3A_318 = tpu.memref_slice %arg5[%dma_start3A_315, %dma_start3A_316, %dma_start3A_317] : memref<36x32x32xf32, #tpu.memory_space<vmem>> -> memref<1x32x32xf32, #tpu.memory_space<vmem>>
      %dma_start3A_319 = arith.constant 0 : i32
      %dma_start3A_320 = arith.constant 0 : i32
      %dma_start3A_321 = tpu.memref_slice %arg2[%get3A_311, %dma_start3A_319, %dma_start3A_320] : memref<50000x32x32xf32, #tpu.memory_space<any>> -> memref<1x32x32xf32, #tpu.memory_space<any>>
      tpu.enqueue_dma source(%dma_start3A_321 : memref<1x32x32xf32, #tpu.memory_space<any>>) target(%dma_start3A_318 : memref<1x32x32xf32, #tpu.memory_space<vmem>>) target_semaphore(%dma_start3A_314 : memref<!tpu.dma_semaphore, #tpu.memory_space<semaphore_mem>>)
      %get3A_322 = arith.constant 18 : index
      %get3A_323 = memref.load %arg1[%get3A_322] : memref<512xi32, #tpu.memory_space<smem>>
      %dma_start3A_324 = arith.constant 18 : i32
      %dma_start3A_325 = tpu.memref_slice %arg6[%dma_start3A_324] : memref<36x!tpu.dma_semaphore, #tpu.memory_space<semaphore_mem>> -> memref<1x!tpu.dma_semaphore, #tpu.memory_space<semaphore_mem>>
      %dma_start3A_326 = tpu.memref_squeeze %dma_start3A_325 : memref<1x!tpu.dma_semaphore, #tpu.memory_space<semaphore_mem>> -> memref<!tpu.dma_semaphore, #tpu.memory_space<semaphore_mem>>
      %dma_start3A_327 = arith.constant 18 : i32
      %dma_start3A_328 = arith.constant 0 : i32
      %dma_start3A_329 = arith.constant 0 : i32
      %dma_start3A_330 = tpu.memref_slice %arg5[%dma_start3A_327, %dma_start3A_328, %dma_start3A_329] : memref<36x32x32xf32, #tpu.memory_space<vmem>> -> memref<1x32x32xf32, #tpu.memory_space<vmem>>
      %dma_start3A_331 = arith.constant 0 : i32
      %dma_start3A_332 = arith.constant 0 : i32
      %dma_start3A_333 = tpu.memref_slice %arg2[%get3A_323, %dma_start3A_331, %dma_start3A_332] : memref<50000x32x32xf32, #tpu.memory_space<any>> -> memref<1x32x32xf32, #tpu.memory_space<any>>
      tpu.enqueue_dma source(%dma_start3A_333 : memref<1x32x32xf32, #tpu.memory_space<any>>) target(%dma_start3A_330 : memref<1x32x32xf32, #tpu.memory_space<vmem>>) target_semaphore(%dma_start3A_326 : memref<!tpu.dma_semaphore, #tpu.memory_space<semaphore_mem>>)
      %get3A_334 = arith.constant 19 : index
      %get3A_335 = memref.load %arg1[%get3A_334] : memref<512xi32, #tpu.memory_space<smem>>
      %dma_start3A_336 = arith.constant 19 : i32
      %dma_start3A_337 = tpu.memref_slice %arg6[%dma_start3A_336] : memref<36x!tpu.dma_semaphore, #tpu.memory_space<semaphore_mem>> -> memref<1x!tpu.dma_semaphore, #tpu.memory_space<semaphore_mem>>
      %dma_start3A_338 = tpu.memref_squeeze %dma_start3A_337 : memref<1x!tpu.dma_semaphore, #tpu.memory_space<semaphore_mem>> -> memref<!tpu.dma_semaphore, #tpu.memory_space<semaphore_mem>>
      %dma_start3A_339 = arith.constant 19 : i32
      %dma_start3A_340 = arith.constant 0 : i32
      %dma_start3A_341 = arith.constant 0 : i32
      %dma_start3A_342 = tpu.memref_slice %arg5[%dma_start3A_339, %dma_start3A_340, %dma_start3A_341] : memref<36x32x32xf32, #tpu.memory_space<vmem>> -> memref<1x32x32xf32, #tpu.memory_space<vmem>>
      %dma_start3A_343 = arith.constant 0 : i32
      %dma_start3A_344 = arith.constant 0 : i32
      %dma_start3A_345 = tpu.memref_slice %arg2[%get3A_335, %dma_start3A_343, %dma_start3A_344] : memref<50000x32x32xf32, #tpu.memory_space<any>> -> memref<1x32x32xf32, #tpu.memory_space<any>>
      tpu.enqueue_dma source(%dma_start3A_345 : memref<1x32x32xf32, #tpu.memory_space<any>>) target(%dma_start3A_342 : memref<1x32x32xf32, #tpu.memory_space<vmem>>) target_semaphore(%dma_start3A_338 : memref<!tpu.dma_semaphore, #tpu.memory_space<semaphore_mem>>)
      %get3A_346 = arith.constant 20 : index
      %get3A_347 = memref.load %arg1[%get3A_346] : memref<512xi32, #tpu.memory_space<smem>>
      %dma_start3A_348 = arith.constant 20 : i32
      %dma_start3A_349 = tpu.memref_slice %arg6[%dma_start3A_348] : memref<36x!tpu.dma_semaphore, #tpu.memory_space<semaphore_mem>> -> memref<1x!tpu.dma_semaphore, #tpu.memory_space<semaphore_mem>>
      %dma_start3A_350 = tpu.memref_squeeze %dma_start3A_349 : memref<1x!tpu.dma_semaphore, #tpu.memory_space<semaphore_mem>> -> memref<!tpu.dma_semaphore, #tpu.memory_space<semaphore_mem>>
      %dma_start3A_351 = arith.constant 20 : i32
      %dma_start3A_352 = arith.constant 0 : i32
      %dma_start3A_353 = arith.constant 0 : i32
      %dma_start3A_354 = tpu.memref_slice %arg5[%dma_start3A_351, %dma_start3A_352, %dma_start3A_353] : memref<36x32x32xf32, #tpu.memory_space<vmem>> -> memref<1x32x32xf32, #tpu.memory_space<vmem>>
      %dma_start3A_355 = arith.constant 0 : i32
      %dma_start3A_356 = arith.constant 0 : i32
      %dma_start3A_357 = tpu.memref_slice %arg2[%get3A_347, %dma_start3A_355, %dma_start3A_356] : memref<50000x32x32xf32, #tpu.memory_space<any>> -> memref<1x32x32xf32, #tpu.memory_space<any>>
      tpu.enqueue_dma source(%dma_start3A_357 : memref<1x32x32xf32, #tpu.memory_space<any>>) target(%dma_start3A_354 : memref<1x32x32xf32, #tpu.memory_space<vmem>>) target_semaphore(%dma_start3A_350 : memref<!tpu.dma_semaphore, #tpu.memory_space<semaphore_mem>>)
      %get3A_358 = arith.constant 21 : index
      %get3A_359 = memref.load %arg1[%get3A_358] : memref<512xi32, #tpu.memory_space<smem>>
      %dma_start3A_360 = arith.constant 21 : i32
      %dma_start3A_361 = tpu.memref_slice %arg6[%dma_start3A_360] : memref<36x!tpu.dma_semaphore, #tpu.memory_space<semaphore_mem>> -> memref<1x!tpu.dma_semaphore, #tpu.memory_space<semaphore_mem>>
      %dma_start3A_362 = tpu.memref_squeeze %dma_start3A_361 : memref<1x!tpu.dma_semaphore, #tpu.memory_space<semaphore_mem>> -> memref<!tpu.dma_semaphore, #tpu.memory_space<semaphore_mem>>
      %dma_start3A_363 = arith.constant 21 : i32
      %dma_start3A_364 = arith.constant 0 : i32
      %dma_start3A_365 = arith.constant 0 : i32
      %dma_start3A_366 = tpu.memref_slice %arg5[%dma_start3A_363, %dma_start3A_364, %dma_start3A_365] : memref<36x32x32xf32, #tpu.memory_space<vmem>> -> memref<1x32x32xf32, #tpu.memory_space<vmem>>
      %dma_start3A_367 = arith.constant 0 : i32
      %dma_start3A_368 = arith.constant 0 : i32
      %dma_start3A_369 = tpu.memref_slice %arg2[%get3A_359, %dma_start3A_367, %dma_start3A_368] : memref<50000x32x32xf32, #tpu.memory_space<any>> -> memref<1x32x32xf32, #tpu.memory_space<any>>
      tpu.enqueue_dma source(%dma_start3A_369 : memref<1x32x32xf32, #tpu.memory_space<any>>) target(%dma_start3A_366 : memref<1x32x32xf32, #tpu.memory_space<vmem>>) target_semaphore(%dma_start3A_362 : memref<!tpu.dma_semaphore, #tpu.memory_space<semaphore_mem>>)
      %get3A_370 = arith.constant 22 : index
      %get3A_371 = memref.load %arg1[%get3A_370] : memref<512xi32, #tpu.memory_space<smem>>
      %dma_start3A_372 = arith.constant 22 : i32
      %dma_start3A_373 = tpu.memref_slice %arg6[%dma_start3A_372] : memref<36x!tpu.dma_semaphore, #tpu.memory_space<semaphore_mem>> -> memref<1x!tpu.dma_semaphore, #tpu.memory_space<semaphore_mem>>
      %dma_start3A_374 = tpu.memref_squeeze %dma_start3A_373 : memref<1x!tpu.dma_semaphore, #tpu.memory_space<semaphore_mem>> -> memref<!tpu.dma_semaphore, #tpu.memory_space<semaphore_mem>>
      %dma_start3A_375 = arith.constant 22 : i32
      %dma_start3A_376 = arith.constant 0 : i32
      %dma_start3A_377 = arith.constant 0 : i32
      %dma_start3A_378 = tpu.memref_slice %arg5[%dma_start3A_375, %dma_start3A_376, %dma_start3A_377] : memref<36x32x32xf32, #tpu.memory_space<vmem>> -> memref<1x32x32xf32, #tpu.memory_space<vmem>>
      %dma_start3A_379 = arith.constant 0 : i32
      %dma_start3A_380 = arith.constant 0 : i32
      %dma_start3A_381 = tpu.memref_slice %arg2[%get3A_371, %dma_start3A_379, %dma_start3A_380] : memref<50000x32x32xf32, #tpu.memory_space<any>> -> memref<1x32x32xf32, #tpu.memory_space<any>>
      tpu.enqueue_dma source(%dma_start3A_381 : memref<1x32x32xf32, #tpu.memory_space<any>>) target(%dma_start3A_378 : memref<1x32x32xf32, #tpu.memory_space<vmem>>) target_semaphore(%dma_start3A_374 : memref<!tpu.dma_semaphore, #tpu.memory_space<semaphore_mem>>)
      %get3A_382 = arith.constant 23 : index
      %get3A_383 = memref.load %arg1[%get3A_382] : memref<512xi32, #tpu.memory_space<smem>>
      %dma_start3A_384 = arith.constant 23 : i32
      %dma_start3A_385 = tpu.memref_slice %arg6[%dma_start3A_384] : memref<36x!tpu.dma_semaphore, #tpu.memory_space<semaphore_mem>> -> memref<1x!tpu.dma_semaphore, #tpu.memory_space<semaphore_mem>>
      %dma_start3A_386 = tpu.memref_squeeze %dma_start3A_385 : memref<1x!tpu.dma_semaphore, #tpu.memory_space<semaphore_mem>> -> memref<!tpu.dma_semaphore, #tpu.memory_space<semaphore_mem>>
      %dma_start3A_387 = arith.constant 23 : i32
      %dma_start3A_388 = arith.constant 0 : i32
      %dma_start3A_389 = arith.constant 0 : i32
      %dma_start3A_390 = tpu.memref_slice %arg5[%dma_start3A_387, %dma_start3A_388, %dma_start3A_389] : memref<36x32x32xf32, #tpu.memory_space<vmem>> -> memref<1x32x32xf32, #tpu.memory_space<vmem>>
      %dma_start3A_391 = arith.constant 0 : i32
      %dma_start3A_392 = arith.constant 0 : i32
      %dma_start3A_393 = tpu.memref_slice %arg2[%get3A_383, %dma_start3A_391, %dma_start3A_392] : memref<50000x32x32xf32, #tpu.memory_space<any>> -> memref<1x32x32xf32, #tpu.memory_space<any>>
      tpu.enqueue_dma source(%dma_start3A_393 : memref<1x32x32xf32, #tpu.memory_space<any>>) target(%dma_start3A_390 : memref<1x32x32xf32, #tpu.memory_space<vmem>>) target_semaphore(%dma_start3A_386 : memref<!tpu.dma_semaphore, #tpu.memory_space<semaphore_mem>>)
      %get3A_394 = arith.constant 24 : index
      %get3A_395 = memref.load %arg1[%get3A_394] : memref<512xi32, #tpu.memory_space<smem>>
      %dma_start3A_396 = arith.constant 24 : i32
      %dma_start3A_397 = tpu.memref_slice %arg6[%dma_start3A_396] : memref<36x!tpu.dma_semaphore, #tpu.memory_space<semaphore_mem>> -> memref<1x!tpu.dma_semaphore, #tpu.memory_space<semaphore_mem>>
      %dma_start3A_398 = tpu.memref_squeeze %dma_start3A_397 : memref<1x!tpu.dma_semaphore, #tpu.memory_space<semaphore_mem>> -> memref<!tpu.dma_semaphore, #tpu.memory_space<semaphore_mem>>
      %dma_start3A_399 = arith.constant 24 : i32
      %dma_start3A_400 = arith.constant 0 : i32
      %dma_start3A_401 = arith.constant 0 : i32
      %dma_start3A_402 = tpu.memref_slice %arg5[%dma_start3A_399, %dma_start3A_400, %dma_start3A_401] : memref<36x32x32xf32, #tpu.memory_space<vmem>> -> memref<1x32x32xf32, #tpu.memory_space<vmem>>
      %dma_start3A_403 = arith.constant 0 : i32
      %dma_start3A_404 = arith.constant 0 : i32
      %dma_start3A_405 = tpu.memref_slice %arg2[%get3A_395, %dma_start3A_403, %dma_start3A_404] : memref<50000x32x32xf32, #tpu.memory_space<any>> -> memref<1x32x32xf32, #tpu.memory_space<any>>
      tpu.enqueue_dma source(%dma_start3A_405 : memref<1x32x32xf32, #tpu.memory_space<any>>) target(%dma_start3A_402 : memref<1x32x32xf32, #tpu.memory_space<vmem>>) target_semaphore(%dma_start3A_398 : memref<!tpu.dma_semaphore, #tpu.memory_space<semaphore_mem>>)
      %get3A_406 = arith.constant 25 : index
      %get3A_407 = memref.load %arg1[%get3A_406] : memref<512xi32, #tpu.memory_space<smem>>
      %dma_start3A_408 = arith.constant 25 : i32
      %dma_start3A_409 = tpu.memref_slice %arg6[%dma_start3A_408] : memref<36x!tpu.dma_semaphore, #tpu.memory_space<semaphore_mem>> -> memref<1x!tpu.dma_semaphore, #tpu.memory_space<semaphore_mem>>
      %dma_start3A_410 = tpu.memref_squeeze %dma_start3A_409 : memref<1x!tpu.dma_semaphore, #tpu.memory_space<semaphore_mem>> -> memref<!tpu.dma_semaphore, #tpu.memory_space<semaphore_mem>>
      %dma_start3A_411 = arith.constant 25 : i32
      %dma_start3A_412 = arith.constant 0 : i32
      %dma_start3A_413 = arith.constant 0 : i32
      %dma_start3A_414 = tpu.memref_slice %arg5[%dma_start3A_411, %dma_start3A_412, %dma_start3A_413] : memref<36x32x32xf32, #tpu.memory_space<vmem>> -> memref<1x32x32xf32, #tpu.memory_space<vmem>>
      %dma_start3A_415 = arith.constant 0 : i32
      %dma_start3A_416 = arith.constant 0 : i32
      %dma_start3A_417 = tpu.memref_slice %arg2[%get3A_407, %dma_start3A_415, %dma_start3A_416] : memref<50000x32x32xf32, #tpu.memory_space<any>> -> memref<1x32x32xf32, #tpu.memory_space<any>>
      tpu.enqueue_dma source(%dma_start3A_417 : memref<1x32x32xf32, #tpu.memory_space<any>>) target(%dma_start3A_414 : memref<1x32x32xf32, #tpu.memory_space<vmem>>) target_semaphore(%dma_start3A_410 : memref<!tpu.dma_semaphore, #tpu.memory_space<semaphore_mem>>)
      %get3A_418 = arith.constant 26 : index
      %get3A_419 = memref.load %arg1[%get3A_418] : memref<512xi32, #tpu.memory_space<smem>>
      %dma_start3A_420 = arith.constant 26 : i32
      %dma_start3A_421 = tpu.memref_slice %arg6[%dma_start3A_420] : memref<36x!tpu.dma_semaphore, #tpu.memory_space<semaphore_mem>> -> memref<1x!tpu.dma_semaphore, #tpu.memory_space<semaphore_mem>>
      %dma_start3A_422 = tpu.memref_squeeze %dma_start3A_421 : memref<1x!tpu.dma_semaphore, #tpu.memory_space<semaphore_mem>> -> memref<!tpu.dma_semaphore, #tpu.memory_space<semaphore_mem>>
      %dma_start3A_423 = arith.constant 26 : i32
      %dma_start3A_424 = arith.constant 0 : i32
      %dma_start3A_425 = arith.constant 0 : i32
      %dma_start3A_426 = tpu.memref_slice %arg5[%dma_start3A_423, %dma_start3A_424, %dma_start3A_425] : memref<36x32x32xf32, #tpu.memory_space<vmem>> -> memref<1x32x32xf32, #tpu.memory_space<vmem>>
      %dma_start3A_427 = arith.constant 0 : i32
      %dma_start3A_428 = arith.constant 0 : i32
      %dma_start3A_429 = tpu.memref_slice %arg2[%get3A_419, %dma_start3A_427, %dma_start3A_428] : memref<50000x32x32xf32, #tpu.memory_space<any>> -> memref<1x32x32xf32, #tpu.memory_space<any>>
      tpu.enqueue_dma source(%dma_start3A_429 : memref<1x32x32xf32, #tpu.memory_space<any>>) target(%dma_start3A_426 : memref<1x32x32xf32, #tpu.memory_space<vmem>>) target_semaphore(%dma_start3A_422 : memref<!tpu.dma_semaphore, #tpu.memory_space<semaphore_mem>>)
      %get3A_430 = arith.constant 27 : index
      %get3A_431 = memref.load %arg1[%get3A_430] : memref<512xi32, #tpu.memory_space<smem>>
      %dma_start3A_432 = arith.constant 27 : i32
      %dma_start3A_433 = tpu.memref_slice %arg6[%dma_start3A_432] : memref<36x!tpu.dma_semaphore, #tpu.memory_space<semaphore_mem>> -> memref<1x!tpu.dma_semaphore, #tpu.memory_space<semaphore_mem>>
      %dma_start3A_434 = tpu.memref_squeeze %dma_start3A_433 : memref<1x!tpu.dma_semaphore, #tpu.memory_space<semaphore_mem>> -> memref<!tpu.dma_semaphore, #tpu.memory_space<semaphore_mem>>
      %dma_start3A_435 = arith.constant 27 : i32
      %dma_start3A_436 = arith.constant 0 : i32
      %dma_start3A_437 = arith.constant 0 : i32
      %dma_start3A_438 = tpu.memref_slice %arg5[%dma_start3A_435, %dma_start3A_436, %dma_start3A_437] : memref<36x32x32xf32, #tpu.memory_space<vmem>> -> memref<1x32x32xf32, #tpu.memory_space<vmem>>
      %dma_start3A_439 = arith.constant 0 : i32
      %dma_start3A_440 = arith.constant 0 : i32
      %dma_start3A_441 = tpu.memref_slice %arg2[%get3A_431, %dma_start3A_439, %dma_start3A_440] : memref<50000x32x32xf32, #tpu.memory_space<any>> -> memref<1x32x32xf32, #tpu.memory_space<any>>
      tpu.enqueue_dma source(%dma_start3A_441 : memref<1x32x32xf32, #tpu.memory_space<any>>) target(%dma_start3A_438 : memref<1x32x32xf32, #tpu.memory_space<vmem>>) target_semaphore(%dma_start3A_434 : memref<!tpu.dma_semaphore, #tpu.memory_space<semaphore_mem>>)
      %get3A_442 = arith.constant 28 : index
      %get3A_443 = memref.load %arg1[%get3A_442] : memref<512xi32, #tpu.memory_space<smem>>
      %dma_start3A_444 = arith.constant 28 : i32
      %dma_start3A_445 = tpu.memref_slice %arg6[%dma_start3A_444] : memref<36x!tpu.dma_semaphore, #tpu.memory_space<semaphore_mem>> -> memref<1x!tpu.dma_semaphore, #tpu.memory_space<semaphore_mem>>
      %dma_start3A_446 = tpu.memref_squeeze %dma_start3A_445 : memref<1x!tpu.dma_semaphore, #tpu.memory_space<semaphore_mem>> -> memref<!tpu.dma_semaphore, #tpu.memory_space<semaphore_mem>>
      %dma_start3A_447 = arith.constant 28 : i32
      %dma_start3A_448 = arith.constant 0 : i32
      %dma_start3A_449 = arith.constant 0 : i32
      %dma_start3A_450 = tpu.memref_slice %arg5[%dma_start3A_447, %dma_start3A_448, %dma_start3A_449] : memref<36x32x32xf32, #tpu.memory_space<vmem>> -> memref<1x32x32xf32, #tpu.memory_space<vmem>>
      %dma_start3A_451 = arith.constant 0 : i32
      %dma_start3A_452 = arith.constant 0 : i32
      %dma_start3A_453 = tpu.memref_slice %arg2[%get3A_443, %dma_start3A_451, %dma_start3A_452] : memref<50000x32x32xf32, #tpu.memory_space<any>> -> memref<1x32x32xf32, #tpu.memory_space<any>>
      tpu.enqueue_dma source(%dma_start3A_453 : memref<1x32x32xf32, #tpu.memory_space<any>>) target(%dma_start3A_450 : memref<1x32x32xf32, #tpu.memory_space<vmem>>) target_semaphore(%dma_start3A_446 : memref<!tpu.dma_semaphore, #tpu.memory_space<semaphore_mem>>)
      %get3A_454 = arith.constant 29 : index
      %get3A_455 = memref.load %arg1[%get3A_454] : memref<512xi32, #tpu.memory_space<smem>>
      %dma_start3A_456 = arith.constant 29 : i32
      %dma_start3A_457 = tpu.memref_slice %arg6[%dma_start3A_456] : memref<36x!tpu.dma_semaphore, #tpu.memory_space<semaphore_mem>> -> memref<1x!tpu.dma_semaphore, #tpu.memory_space<semaphore_mem>>
      %dma_start3A_458 = tpu.memref_squeeze %dma_start3A_457 : memref<1x!tpu.dma_semaphore, #tpu.memory_space<semaphore_mem>> -> memref<!tpu.dma_semaphore, #tpu.memory_space<semaphore_mem>>
      %dma_start3A_459 = arith.constant 29 : i32
      %dma_start3A_460 = arith.constant 0 : i32
      %dma_start3A_461 = arith.constant 0 : i32
      %dma_start3A_462 = tpu.memref_slice %arg5[%dma_start3A_459, %dma_start3A_460, %dma_start3A_461] : memref<36x32x32xf32, #tpu.memory_space<vmem>> -> memref<1x32x32xf32, #tpu.memory_space<vmem>>
      %dma_start3A_463 = arith.constant 0 : i32
      %dma_start3A_464 = arith.constant 0 : i32
      %dma_start3A_465 = tpu.memref_slice %arg2[%get3A_455, %dma_start3A_463, %dma_start3A_464] : memref<50000x32x32xf32, #tpu.memory_space<any>> -> memref<1x32x32xf32, #tpu.memory_space<any>>
      tpu.enqueue_dma source(%dma_start3A_465 : memref<1x32x32xf32, #tpu.memory_space<any>>) target(%dma_start3A_462 : memref<1x32x32xf32, #tpu.memory_space<vmem>>) target_semaphore(%dma_start3A_458 : memref<!tpu.dma_semaphore, #tpu.memory_space<semaphore_mem>>)
      %get3A_466 = arith.constant 30 : index
      %get3A_467 = memref.load %arg1[%get3A_466] : memref<512xi32, #tpu.memory_space<smem>>
      %dma_start3A_468 = arith.constant 30 : i32
      %dma_start3A_469 = tpu.memref_slice %arg6[%dma_start3A_468] : memref<36x!tpu.dma_semaphore, #tpu.memory_space<semaphore_mem>> -> memref<1x!tpu.dma_semaphore, #tpu.memory_space<semaphore_mem>>
      %dma_start3A_470 = tpu.memref_squeeze %dma_start3A_469 : memref<1x!tpu.dma_semaphore, #tpu.memory_space<semaphore_mem>> -> memref<!tpu.dma_semaphore, #tpu.memory_space<semaphore_mem>>
      %dma_start3A_471 = arith.constant 30 : i32
      %dma_start3A_472 = arith.constant 0 : i32
      %dma_start3A_473 = arith.constant 0 : i32
      %dma_start3A_474 = tpu.memref_slice %arg5[%dma_start3A_471, %dma_start3A_472, %dma_start3A_473] : memref<36x32x32xf32, #tpu.memory_space<vmem>> -> memref<1x32x32xf32, #tpu.memory_space<vmem>>
      %dma_start3A_475 = arith.constant 0 : i32
      %dma_start3A_476 = arith.constant 0 : i32
      %dma_start3A_477 = tpu.memref_slice %arg2[%get3A_467, %dma_start3A_475, %dma_start3A_476] : memref<50000x32x32xf32, #tpu.memory_space<any>> -> memref<1x32x32xf32, #tpu.memory_space<any>>
      tpu.enqueue_dma source(%dma_start3A_477 : memref<1x32x32xf32, #tpu.memory_space<any>>) target(%dma_start3A_474 : memref<1x32x32xf32, #tpu.memory_space<vmem>>) target_semaphore(%dma_start3A_470 : memref<!tpu.dma_semaphore, #tpu.memory_space<semaphore_mem>>)
      %get3A_478 = arith.constant 31 : index
      %get3A_479 = memref.load %arg1[%get3A_478] : memref<512xi32, #tpu.memory_space<smem>>
      %dma_start3A_480 = arith.constant 31 : i32
      %dma_start3A_481 = tpu.memref_slice %arg6[%dma_start3A_480] : memref<36x!tpu.dma_semaphore, #tpu.memory_space<semaphore_mem>> -> memref<1x!tpu.dma_semaphore, #tpu.memory_space<semaphore_mem>>
      %dma_start3A_482 = tpu.memref_squeeze %dma_start3A_481 : memref<1x!tpu.dma_semaphore, #tpu.memory_space<semaphore_mem>> -> memref<!tpu.dma_semaphore, #tpu.memory_space<semaphore_mem>>
      %dma_start3A_483 = arith.constant 31 : i32
      %dma_start3A_484 = arith.constant 0 : i32
      %dma_start3A_485 = arith.constant 0 : i32
      %dma_start3A_486 = tpu.memref_slice %arg5[%dma_start3A_483, %dma_start3A_484, %dma_start3A_485] : memref<36x32x32xf32, #tpu.memory_space<vmem>> -> memref<1x32x32xf32, #tpu.memory_space<vmem>>
      %dma_start3A_487 = arith.constant 0 : i32
      %dma_start3A_488 = arith.constant 0 : i32
      %dma_start3A_489 = tpu.memref_slice %arg2[%get3A_479, %dma_start3A_487, %dma_start3A_488] : memref<50000x32x32xf32, #tpu.memory_space<any>> -> memref<1x32x32xf32, #tpu.memory_space<any>>
      tpu.enqueue_dma source(%dma_start3A_489 : memref<1x32x32xf32, #tpu.memory_space<any>>) target(%dma_start3A_486 : memref<1x32x32xf32, #tpu.memory_space<vmem>>) target_semaphore(%dma_start3A_482 : memref<!tpu.dma_semaphore, #tpu.memory_space<semaphore_mem>>)
    } else {
    }
    %add3A = arith.constant 8 : i32
    %add3A_2 = arith.addi %arg0, %add3A : i32
    %lt3A = arith.constant 128 : i32
    %lt3A_3 = arith.cmpi slt, %add3A_2, %lt3A : i32
    %convert_element_type3A_4 = arith.extui %lt3A_3 : i1 to i32
    %cond3A_5 = arith.constant 0 : i32
    %cond3A_6 = arith.cmpi ne, %convert_element_type3A_4, %cond3A_5 : i32
    scf.if %cond3A_6 {
      %add3A_107 = arith.constant 8 : i32
      %add3A_108 = arith.addi %arg0, %add3A_107 : i32
      %mul3A_109 = arith.constant 4 : i32
      %mul3A_110 = arith.muli %add3A_108, %mul3A_109 : i32
      %add3A_111 = arith.constant 0 : i32
      %add3A_112 = arith.addi %mul3A_110, %add3A_111 : i32
      %rem3A_113 = arith.constant 36 : i32
      %rem3A_114 = arith.remsi %add3A_112, %rem3A_113 : i32
      %get3A_115 = arith.index_cast %add3A_112 : i32 to index
      %get3A_116 = memref.load %arg1[%get3A_115] : memref<512xi32, #tpu.memory_space<smem>>
      %dma_start3A = tpu.memref_slice %arg6[%rem3A_114] : memref<36x!tpu.dma_semaphore, #tpu.memory_space<semaphore_mem>> -> memref<1x!tpu.dma_semaphore, #tpu.memory_space<semaphore_mem>>
      %dma_start3A_117 = tpu.memref_squeeze %dma_start3A : memref<1x!tpu.dma_semaphore, #tpu.memory_space<semaphore_mem>> -> memref<!tpu.dma_semaphore, #tpu.memory_space<semaphore_mem>>
      %dma_start3A_118 = arith.constant 0 : i32
      %dma_start3A_119 = arith.constant 0 : i32
      %dma_start3A_120 = tpu.memref_slice %arg5[%rem3A_114, %dma_start3A_118, %dma_start3A_119] : memref<36x32x32xf32, #tpu.memory_space<vmem>> -> memref<1x32x32xf32, #tpu.memory_space<vmem>>
      %dma_start3A_121 = arith.constant 0 : i32
      %dma_start3A_122 = arith.constant 0 : i32
      %dma_start3A_123 = tpu.memref_slice %arg2[%get3A_116, %dma_start3A_121, %dma_start3A_122] : memref<50000x32x32xf32, #tpu.memory_space<any>> -> memref<1x32x32xf32, #tpu.memory_space<any>>
      tpu.enqueue_dma source(%dma_start3A_123 : memref<1x32x32xf32, #tpu.memory_space<any>>) target(%dma_start3A_120 : memref<1x32x32xf32, #tpu.memory_space<vmem>>) target_semaphore(%dma_start3A_117 : memref<!tpu.dma_semaphore, #tpu.memory_space<semaphore_mem>>)
      %add3A_124 = arith.constant 8 : i32
      %add3A_125 = arith.addi %arg0, %add3A_124 : i32
      %mul3A_126 = arith.constant 4 : i32
      %mul3A_127 = arith.muli %add3A_125, %mul3A_126 : i32
      %add3A_128 = arith.constant 1 : i32
      %add3A_129 = arith.addi %mul3A_127, %add3A_128 : i32
      %rem3A_130 = arith.constant 36 : i32
      %rem3A_131 = arith.remsi %add3A_129, %rem3A_130 : i32
      %get3A_132 = arith.index_cast %add3A_129 : i32 to index
      %get3A_133 = memref.load %arg1[%get3A_132] : memref<512xi32, #tpu.memory_space<smem>>
      %dma_start3A_134 = tpu.memref_slice %arg6[%rem3A_131] : memref<36x!tpu.dma_semaphore, #tpu.memory_space<semaphore_mem>> -> memref<1x!tpu.dma_semaphore, #tpu.memory_space<semaphore_mem>>
      %dma_start3A_135 = tpu.memref_squeeze %dma_start3A_134 : memref<1x!tpu.dma_semaphore, #tpu.memory_space<semaphore_mem>> -> memref<!tpu.dma_semaphore, #tpu.memory_space<semaphore_mem>>
      %dma_start3A_136 = arith.constant 0 : i32
      %dma_start3A_137 = arith.constant 0 : i32
      %dma_start3A_138 = tpu.memref_slice %arg5[%rem3A_131, %dma_start3A_136, %dma_start3A_137] : memref<36x32x32xf32, #tpu.memory_space<vmem>> -> memref<1x32x32xf32, #tpu.memory_space<vmem>>
      %dma_start3A_139 = arith.constant 0 : i32
      %dma_start3A_140 = arith.constant 0 : i32
      %dma_start3A_141 = tpu.memref_slice %arg2[%get3A_133, %dma_start3A_139, %dma_start3A_140] : memref<50000x32x32xf32, #tpu.memory_space<any>> -> memref<1x32x32xf32, #tpu.memory_space<any>>
      tpu.enqueue_dma source(%dma_start3A_141 : memref<1x32x32xf32, #tpu.memory_space<any>>) target(%dma_start3A_138 : memref<1x32x32xf32, #tpu.memory_space<vmem>>) target_semaphore(%dma_start3A_135 : memref<!tpu.dma_semaphore, #tpu.memory_space<semaphore_mem>>)
      %add3A_142 = arith.constant 8 : i32
      %add3A_143 = arith.addi %arg0, %add3A_142 : i32
      %mul3A_144 = arith.constant 4 : i32
      %mul3A_145 = arith.muli %add3A_143, %mul3A_144 : i32
      %add3A_146 = arith.constant 2 : i32
      %add3A_147 = arith.addi %mul3A_145, %add3A_146 : i32
      %rem3A_148 = arith.constant 36 : i32
      %rem3A_149 = arith.remsi %add3A_147, %rem3A_148 : i32
      %get3A_150 = arith.index_cast %add3A_147 : i32 to index
      %get3A_151 = memref.load %arg1[%get3A_150] : memref<512xi32, #tpu.memory_space<smem>>
      %dma_start3A_152 = tpu.memref_slice %arg6[%rem3A_149] : memref<36x!tpu.dma_semaphore, #tpu.memory_space<semaphore_mem>> -> memref<1x!tpu.dma_semaphore, #tpu.memory_space<semaphore_mem>>
      %dma_start3A_153 = tpu.memref_squeeze %dma_start3A_152 : memref<1x!tpu.dma_semaphore, #tpu.memory_space<semaphore_mem>> -> memref<!tpu.dma_semaphore, #tpu.memory_space<semaphore_mem>>
      %dma_start3A_154 = arith.constant 0 : i32
      %dma_start3A_155 = arith.constant 0 : i32
      %dma_start3A_156 = tpu.memref_slice %arg5[%rem3A_149, %dma_start3A_154, %dma_start3A_155] : memref<36x32x32xf32, #tpu.memory_space<vmem>> -> memref<1x32x32xf32, #tpu.memory_space<vmem>>
      %dma_start3A_157 = arith.constant 0 : i32
      %dma_start3A_158 = arith.constant 0 : i32
      %dma_start3A_159 = tpu.memref_slice %arg2[%get3A_151, %dma_start3A_157, %dma_start3A_158] : memref<50000x32x32xf32, #tpu.memory_space<any>> -> memref<1x32x32xf32, #tpu.memory_space<any>>
      tpu.enqueue_dma source(%dma_start3A_159 : memref<1x32x32xf32, #tpu.memory_space<any>>) target(%dma_start3A_156 : memref<1x32x32xf32, #tpu.memory_space<vmem>>) target_semaphore(%dma_start3A_153 : memref<!tpu.dma_semaphore, #tpu.memory_space<semaphore_mem>>)
      %add3A_160 = arith.constant 8 : i32
      %add3A_161 = arith.addi %arg0, %add3A_160 : i32
      %mul3A_162 = arith.constant 4 : i32
      %mul3A_163 = arith.muli %add3A_161, %mul3A_162 : i32
      %add3A_164 = arith.constant 3 : i32
      %add3A_165 = arith.addi %mul3A_163, %add3A_164 : i32
      %rem3A_166 = arith.constant 36 : i32
      %rem3A_167 = arith.remsi %add3A_165, %rem3A_166 : i32
      %get3A_168 = arith.index_cast %add3A_165 : i32 to index
      %get3A_169 = memref.load %arg1[%get3A_168] : memref<512xi32, #tpu.memory_space<smem>>
      %dma_start3A_170 = tpu.memref_slice %arg6[%rem3A_167] : memref<36x!tpu.dma_semaphore, #tpu.memory_space<semaphore_mem>> -> memref<1x!tpu.dma_semaphore, #tpu.memory_space<semaphore_mem>>
      %dma_start3A_171 = tpu.memref_squeeze %dma_start3A_170 : memref<1x!tpu.dma_semaphore, #tpu.memory_space<semaphore_mem>> -> memref<!tpu.dma_semaphore, #tpu.memory_space<semaphore_mem>>
      %dma_start3A_172 = arith.constant 0 : i32
      %dma_start3A_173 = arith.constant 0 : i32
      %dma_start3A_174 = tpu.memref_slice %arg5[%rem3A_167, %dma_start3A_172, %dma_start3A_173] : memref<36x32x32xf32, #tpu.memory_space<vmem>> -> memref<1x32x32xf32, #tpu.memory_space<vmem>>
      %dma_start3A_175 = arith.constant 0 : i32
      %dma_start3A_176 = arith.constant 0 : i32
      %dma_start3A_177 = tpu.memref_slice %arg2[%get3A_169, %dma_start3A_175, %dma_start3A_176] : memref<50000x32x32xf32, #tpu.memory_space<any>> -> memref<1x32x32xf32, #tpu.memory_space<any>>
      tpu.enqueue_dma source(%dma_start3A_177 : memref<1x32x32xf32, #tpu.memory_space<any>>) target(%dma_start3A_174 : memref<1x32x32xf32, #tpu.memory_space<vmem>>) target_semaphore(%dma_start3A_171 : memref<!tpu.dma_semaphore, #tpu.memory_space<semaphore_mem>>)
    } else {
    }
    %get3A = arith.constant 0 : index
    %get3A_7 = arith.constant 0 : index
    %get3A_8 = vector.load %arg3[%get3A, %get3A_7] : memref<512x32xf32, #tpu.memory_space<vmem>>, vector<512x32xf32>
    %mul3A = arith.constant 4 : i32
    %mul3A_9 = arith.muli %arg0, %mul3A : i32
    %add3A_10 = arith.constant 0 : i32
    %add3A_11 = arith.addi %mul3A_9, %add3A_10 : i32
    %rem3A = arith.constant 36 : i32
    %rem3A_12 = arith.remsi %add3A_11, %rem3A : i32
    %get3A_13 = arith.index_cast %add3A_11 : i32 to index
    %get3A_14 = memref.load %arg1[%get3A_13] : memref<512xi32, #tpu.memory_space<smem>>
    %dma_wait3A = tpu.memref_slice %arg6[%rem3A_12] : memref<36x!tpu.dma_semaphore, #tpu.memory_space<semaphore_mem>> -> memref<1x!tpu.dma_semaphore, #tpu.memory_space<semaphore_mem>>
    %dma_wait3A_15 = tpu.memref_squeeze %dma_wait3A : memref<1x!tpu.dma_semaphore, #tpu.memory_space<semaphore_mem>> -> memref<!tpu.dma_semaphore, #tpu.memory_space<semaphore_mem>>
    %dma_wait3A_16 = arith.constant 0 : i32
    %dma_wait3A_17 = arith.constant 0 : i32
    %dma_wait3A_18 = tpu.memref_slice %arg5[%rem3A_12, %dma_wait3A_16, %dma_wait3A_17] : memref<36x32x32xf32, #tpu.memory_space<vmem>> -> memref<1x32x32xf32, #tpu.memory_space<vmem>>
    %dma_wait3A_19 = arith.constant 0 : i32
    %dma_wait3A_20 = arith.constant 0 : i32
    %dma_wait3A_21 = tpu.memref_slice %arg2[%get3A_14, %dma_wait3A_19, %dma_wait3A_20] : memref<50000x32x32xf32, #tpu.memory_space<any>> -> memref<1x32x32xf32, #tpu.memory_space<any>>
    tpu.wait_dma2 semaphore(%dma_wait3A_15 : memref<!tpu.dma_semaphore, #tpu.memory_space<semaphore_mem>>) src(%dma_wait3A_21 : memref<1x32x32xf32, #tpu.memory_space<any>>) dst(%dma_wait3A_18 : memref<1x32x32xf32, #tpu.memory_space<vmem>>)
    %get3A_22 = arith.index_cast %rem3A_12 : i32 to index
    %get3A_23 = arith.constant 0 : index
    %get3A_24 = arith.constant 0 : index
    %get3A_25 = vector.load %arg5[%get3A_22, %get3A_23, %get3A_24] : memref<36x32x32xf32, #tpu.memory_space<vmem>>, vector<1x32x32xf32>
    %squeeze3A = vector.shape_cast %get3A_25 : vector<1x32x32xf32> to vector<32x32xf32>
    %dot_general3A = arith.constant dense<0.000000e+00> : vector<512x32xf32>
    %dot_general3A_26 = tpu.matmul %get3A_8, %squeeze3A, %dot_general3A {dimension_numbers = #tpu.dot_dimension_numbers<[1], [0], [0], [1], [0, 0, 1, 1], [], []>, transpose_lhs_hint = false} : vector<512x32xf32>, vector<32x32xf32>, vector<512x32xf32> -> vector<512x32xf32>
    %swap3A = arith.constant 0 : index
    %swap3A_27 = arith.constant 0 : index
    %swap3A_28 = vector.load %arg4[%swap3A, %swap3A_27] : memref<512x128xf32, #tpu.memory_space<vmem>>, vector<512x32xf32>
    tpu.vector_store %arg4[%swap3A, %swap3A_27], %dot_general3A_26 {strides = array<i32>} : memref<512x128xf32, #tpu.memory_space<vmem>>, vector<512x32xf32>,
    %mul3A_29 = arith.constant 4 : i32
    %mul3A_30 = arith.muli %arg0, %mul3A_29 : i32
    %add3A_31 = arith.constant 1 : i32
    %add3A_32 = arith.addi %mul3A_30, %add3A_31 : i32
    %rem3A_33 = arith.constant 36 : i32
    %rem3A_34 = arith.remsi %add3A_32, %rem3A_33 : i32
    %get3A_35 = arith.index_cast %add3A_32 : i32 to index
    %get3A_36 = memref.load %arg1[%get3A_35] : memref<512xi32, #tpu.memory_space<smem>>
    %dma_wait3A_37 = tpu.memref_slice %arg6[%rem3A_34] : memref<36x!tpu.dma_semaphore, #tpu.memory_space<semaphore_mem>> -> memref<1x!tpu.dma_semaphore, #tpu.memory_space<semaphore_mem>>
    %dma_wait3A_38 = tpu.memref_squeeze %dma_wait3A_37 : memref<1x!tpu.dma_semaphore, #tpu.memory_space<semaphore_mem>> -> memref<!tpu.dma_semaphore, #tpu.memory_space<semaphore_mem>>
    %dma_wait3A_39 = arith.constant 0 : i32
    %dma_wait3A_40 = arith.constant 0 : i32
    %dma_wait3A_41 = tpu.memref_slice %arg5[%rem3A_34, %dma_wait3A_39, %dma_wait3A_40] : memref<36x32x32xf32, #tpu.memory_space<vmem>> -> memref<1x32x32xf32, #tpu.memory_space<vmem>>
    %dma_wait3A_42 = arith.constant 0 : i32
    %dma_wait3A_43 = arith.constant 0 : i32
    %dma_wait3A_44 = tpu.memref_slice %arg2[%get3A_36, %dma_wait3A_42, %dma_wait3A_43] : memref<50000x32x32xf32, #tpu.memory_space<any>> -> memref<1x32x32xf32, #tpu.memory_space<any>>
    tpu.wait_dma2 semaphore(%dma_wait3A_38 : memref<!tpu.dma_semaphore, #tpu.memory_space<semaphore_mem>>) src(%dma_wait3A_44 : memref<1x32x32xf32, #tpu.memory_space<any>>) dst(%dma_wait3A_41 : memref<1x32x32xf32, #tpu.memory_space<vmem>>)
    %get3A_45 = arith.index_cast %rem3A_34 : i32 to index
    %get3A_46 = arith.constant 0 : index
    %get3A_47 = arith.constant 0 : index
    %get3A_48 = vector.load %arg5[%get3A_45, %get3A_46, %get3A_47] : memref<36x32x32xf32, #tpu.memory_space<vmem>>, vector<1x32x32xf32>
    %squeeze3A_49 = vector.shape_cast %get3A_48 : vector<1x32x32xf32> to vector<32x32xf32>
    %dot_general3A_50 = arith.constant dense<0.000000e+00> : vector<512x32xf32>
    %dot_general3A_51 = tpu.matmul %get3A_8, %squeeze3A_49, %dot_general3A_50 {dimension_numbers = #tpu.dot_dimension_numbers<[1], [0], [0], [1], [0, 0, 1, 1], [], []>, transpose_lhs_hint = false} : vector<512x32xf32>, vector<32x32xf32>, vector<512x32xf32> -> vector<512x32xf32>
    %swap3A_52 = arith.constant 0 : index
    %swap3A_53 = arith.constant 32 : index
    %swap3A_54 = vector.load %arg4[%swap3A_52, %swap3A_53] : memref<512x128xf32, #tpu.memory_space<vmem>>, vector<512x32xf32>
    tpu.vector_store %arg4[%swap3A_52, %swap3A_53], %dot_general3A_51 {strides = array<i32>} : memref<512x128xf32, #tpu.memory_space<vmem>>, vector<512x32xf32>,
    %mul3A_55 = arith.constant 4 : i32
    %mul3A_56 = arith.muli %arg0, %mul3A_55 : i32
    %add3A_57 = arith.constant 2 : i32
    %add3A_58 = arith.addi %mul3A_56, %add3A_57 : i32
    %rem3A_59 = arith.constant 36 : i32
    %rem3A_60 = arith.remsi %add3A_58, %rem3A_59 : i32
    %get3A_61 = arith.index_cast %add3A_58 : i32 to index
    %get3A_62 = memref.load %arg1[%get3A_61] : memref<512xi32, #tpu.memory_space<smem>>
    %dma_wait3A_63 = tpu.memref_slice %arg6[%rem3A_60] : memref<36x!tpu.dma_semaphore, #tpu.memory_space<semaphore_mem>> -> memref<1x!tpu.dma_semaphore, #tpu.memory_space<semaphore_mem>>
    %dma_wait3A_64 = tpu.memref_squeeze %dma_wait3A_63 : memref<1x!tpu.dma_semaphore, #tpu.memory_space<semaphore_mem>> -> memref<!tpu.dma_semaphore, #tpu.memory_space<semaphore_mem>>
    %dma_wait3A_65 = arith.constant 0 : i32
    %dma_wait3A_66 = arith.constant 0 : i32
    %dma_wait3A_67 = tpu.memref_slice %arg5[%rem3A_60, %dma_wait3A_65, %dma_wait3A_66] : memref<36x32x32xf32, #tpu.memory_space<vmem>> -> memref<1x32x32xf32, #tpu.memory_space<vmem>>
    %dma_wait3A_68 = arith.constant 0 : i32
    %dma_wait3A_69 = arith.constant 0 : i32
    %dma_wait3A_70 = tpu.memref_slice %arg2[%get3A_62, %dma_wait3A_68, %dma_wait3A_69] : memref<50000x32x32xf32, #tpu.memory_space<any>> -> memref<1x32x32xf32, #tpu.memory_space<any>>
    tpu.wait_dma2 semaphore(%dma_wait3A_64 : memref<!tpu.dma_semaphore, #tpu.memory_space<semaphore_mem>>) src(%dma_wait3A_70 : memref<1x32x32xf32, #tpu.memory_space<any>>) dst(%dma_wait3A_67 : memref<1x32x32xf32, #tpu.memory_space<vmem>>)
    %get3A_71 = arith.index_cast %rem3A_60 : i32 to index
    %get3A_72 = arith.constant 0 : index
    %get3A_73 = arith.constant 0 : index
    %get3A_74 = vector.load %arg5[%get3A_71, %get3A_72, %get3A_73] : memref<36x32x32xf32, #tpu.memory_space<vmem>>, vector<1x32x32xf32>
    %squeeze3A_75 = vector.shape_cast %get3A_74 : vector<1x32x32xf32> to vector<32x32xf32>
    %dot_general3A_76 = arith.constant dense<0.000000e+00> : vector<512x32xf32>
    %dot_general3A_77 = tpu.matmul %get3A_8, %squeeze3A_75, %dot_general3A_76 {dimension_numbers = #tpu.dot_dimension_numbers<[1], [0], [0], [1], [0, 0, 1, 1], [], []>, transpose_lhs_hint = false} : vector<512x32xf32>, vector<32x32xf32>, vector<512x32xf32> -> vector<512x32xf32>
    %swap3A_78 = arith.constant 0 : index
    %swap3A_79 = arith.constant 64 : index
    %swap3A_80 = vector.load %arg4[%swap3A_78, %swap3A_79] : memref<512x128xf32, #tpu.memory_space<vmem>>, vector<512x32xf32>
    tpu.vector_store %arg4[%swap3A_78, %swap3A_79], %dot_general3A_77 {strides = array<i32>} : memref<512x128xf32, #tpu.memory_space<vmem>>, vector<512x32xf32>,
    %mul3A_81 = arith.constant 4 : i32
    %mul3A_82 = arith.muli %arg0, %mul3A_81 : i32
    %add3A_83 = arith.constant 3 : i32
    %add3A_84 = arith.addi %mul3A_82, %add3A_83 : i32
    %rem3A_85 = arith.constant 36 : i32
    %rem3A_86 = arith.remsi %add3A_84, %rem3A_85 : i32
    %get3A_87 = arith.index_cast %add3A_84 : i32 to index
    %get3A_88 = memref.load %arg1[%get3A_87] : memref<512xi32, #tpu.memory_space<smem>>
    %dma_wait3A_89 = tpu.memref_slice %arg6[%rem3A_86] : memref<36x!tpu.dma_semaphore, #tpu.memory_space<semaphore_mem>> -> memref<1x!tpu.dma_semaphore, #tpu.memory_space<semaphore_mem>>
    %dma_wait3A_90 = tpu.memref_squeeze %dma_wait3A_89 : memref<1x!tpu.dma_semaphore, #tpu.memory_space<semaphore_mem>> -> memref<!tpu.dma_semaphore, #tpu.memory_space<semaphore_mem>>
    %dma_wait3A_91 = arith.constant 0 : i32
    %dma_wait3A_92 = arith.constant 0 : i32
    %dma_wait3A_93 = tpu.memref_slice %arg5[%rem3A_86, %dma_wait3A_91, %dma_wait3A_92] : memref<36x32x32xf32, #tpu.memory_space<vmem>> -> memref<1x32x32xf32, #tpu.memory_space<vmem>>
    %dma_wait3A_94 = arith.constant 0 : i32
    %dma_wait3A_95 = arith.constant 0 : i32
    %dma_wait3A_96 = tpu.memref_slice %arg2[%get3A_88, %dma_wait3A_94, %dma_wait3A_95] : memref<50000x32x32xf32, #tpu.memory_space<any>> -> memref<1x32x32xf32, #tpu.memory_space<any>>
    tpu.wait_dma2 semaphore(%dma_wait3A_90 : memref<!tpu.dma_semaphore, #tpu.memory_space<semaphore_mem>>) src(%dma_wait3A_96 : memref<1x32x32xf32, #tpu.memory_space<any>>) dst(%dma_wait3A_93 : memref<1x32x32xf32, #tpu.memory_space<vmem>>)
    %get3A_97 = arith.index_cast %rem3A_86 : i32 to index
    %get3A_98 = arith.constant 0 : index
    %get3A_99 = arith.constant 0 : index
    %get3A_100 = vector.load %arg5[%get3A_97, %get3A_98, %get3A_99] : memref<36x32x32xf32, #tpu.memory_space<vmem>>, vector<1x32x32xf32>
    %squeeze3A_101 = vector.shape_cast %get3A_100 : vector<1x32x32xf32> to vector<32x32xf32>
    %dot_general3A_102 = arith.constant dense<0.000000e+00> : vector<512x32xf32>
    %dot_general3A_103 = tpu.matmul %get3A_8, %squeeze3A_101, %dot_general3A_102 {dimension_numbers = #tpu.dot_dimension_numbers<[1], [0], [0], [1], [0, 0, 1, 1], [], []>, transpose_lhs_hint = false} : vector<512x32xf32>, vector<32x32xf32>, vector<512x32xf32> -> vector<512x32xf32>
    %swap3A_104 = arith.constant 0 : index
    %swap3A_105 = arith.constant 96 : index
    %swap3A_106 = vector.load %arg4[%swap3A_104, %swap3A_105] : memref<512x128xf32, #tpu.memory_space<vmem>>, vector<512x32xf32>
    tpu.vector_store %arg4[%swap3A_104, %swap3A_105], %dot_general3A_103 {strides = array<i32>} : memref<512x128xf32, #tpu.memory_space<vmem>>, vector<512x32xf32>,
    return
  }
  func.func @transform_1(%arg0: i32, %arg1: memref<512xi32, #tpu.memory_space<smem>>) -> (i32, i32) {
    %c0_i32 = arith.constant 0 : i32
    %c0_i32_0 = arith.constant 0 : i32
    %c0_i32_1 = arith.constant 0 : i32
    return %c0_i32, %c0_i32_0 : i32, i32
  }
  func.func @transform_2(%arg0: i32, %arg1: memref<512xi32, #tpu.memory_space<smem>>) -> (i32, i32) {
    %c0_i32 = arith.constant 0 : i32
    %c0_i32_0 = arith.constant 0 : i32
    return %c0_i32, %arg0 : i32, i32
  }
}

</mosaic_0001>

<sc_bundles>
// kernel: sparse-core-data-format-call.cloned.1.call-start
scs
called_computation_lowered:
.L_overlay_start_0:
0x0: {  	s2 =	sld [smem:$0x3FD9]  }
0x1: {  	s3 =	sld [smem:$0x3FFE];
	_ =	sdelay $0x1  }
0x2: {  	s1 =	srdreg.scid  }
0x3: {  	s0 =	sand.u32 $0x1, s1  }
0x4: {  	s15 =	sshll.u32 s0, $0xA;
	s2 =	sadd.s32 s3, s2  }
0x5: {  	s2 =	sadd.s32 s2, s15  }
0x6: {  	[smem:$0x3FC4] =	sst s2  }
0x7: {  	_ = 	snop  }
0x8: {  	s2 =	sld [smem:$0x3FD0];
	_ =	sdelay $0x2  }
0x9: {  	s16 =	simm.s32 $0xA;
	s4 =	simm.s32 $0x10  }
0xa: {  	[smem:s4], [sflag:s16] =	dma.local [hbm:s2], $0x1  }
0xb: {  	_ =	swait.eq [sflag:s16], $0x1  }
0xc: {  	[sflag:s16] =	ssyncset.done $0x0  }
0xd: {  	[sflag:s16] =	ssyncadd.s32 $0xFFFFFFFF  }
0xe: {  	s17 =	sld [smem:$0x10];
	(tm) =	ssettm $0x1  }
0xf: {  	s18 =	sld [smem:$0x3FFB];
	_ =	sdelay $0x3  }
0x10: {  	_ =	strace s18  }
0x11: {  	s3 =	sld [smem:$0x3FFC];
	_ =	sdelay $0x3  }
0x12: {  	_ =	strace s3  }
0x13: {  	s3 =	sld [smem:$0x3FFD];
	_ =	sdelay $0x3  }
0x14: {  	_ =	strace s3  }
0x15: {  	_ =	strace $0x8FFFFFFF  }
0x16: {  	s19 =	sld [smem:$0x3FDB];
	_ =	sdelay $0x1  }
0x17: {  	s20 =	simm.s32 $_scs_section_size  }
0x18: {  	s5 =	simm.s32 $_size__tile_overlayer_lowered;
	s6 =	simm.s32 $_tile_overlayer_lowered  }
0x19: {  	s23 =	simm.s32 $0x1BFF;
	s22 =	sshll.u32 s6, $0x1;
	s3 =	sadd.s32 s20, s19  }
0x1a: {  	s7 =	simm.s32 $0x0;
	s21 =	sshll.u32 s5, $0x1;
	s5 =	sadd.s32 s22, s3  }
0x1b: {  	[timem:s7], [sflag:s23] =	dma.local [hbm:s5], s21  }
0x1c: {  	_ =	swait.ge [sflag:s23], s21  }
0x1d: {  	s4 =	ssub.s32 $0x0, s21;
	[sflag:s23] =	ssyncset.done $0x0  }
0x1e: {  	[sflag:s23] =	ssyncadd.s32 s4;
	_ =	sdelay $0x1  }
0x1f: {  	s24 =	simm.s32 $0x1B8B  }
0x20: {  	_ =	swait.ge [sflag:s24], $0x1  }
0x21: {  	[sflag:s24] =	ssyncset.done $0x0  }
0x22: {  	s26 =	simm.s32 $0x1B8E;
	s25 =	sld [smem:$0x3FFE];
	[sflag:s24] =	ssyncadd.s32 $0xFFFFFFFF  }
0x23: {  	s27 =	simm.s32 $execute0_lowered;
	[smem:$0x3FD2] =	sst s26  }
0x24: {  	s5 =	sshll.u32 s27, $0x1;
	_ =	strace $0x80000046;
	[dreg:$0x1] =	wrdreg $0xFFFFFFFF  }
0x25: {  	s28 =	simm.s32 $_size_execute0_lowered;
	s3 =	sadd.s32 s3, s5;
	[dreg:$0x0] =	wrdreg $0x0  }
0x26: {  	s5 =	sshll.u32 s28, $0x1;
	[dreg:$0x2] =	wrdreg s3  }
0x27: {  	[dreg:$0x3] =	wrdreg s5  }
0x28: {  	[dreg:$0x4] =	wrdreg $0xC0  }
0x29: {  	_ =	task [dreg:s7], $0x5FFFF  }
0x2a: {  	[dreg:$0x1] =	wrdreg $0xFFFFFFFF  }
0x2b: {  	[dreg:$0x0] =	wrdreg $0x60  }
0x2c: {  	[dreg:$0x2] =	wrdreg s25  }
0x2d: {  	[dreg:$0x3] =	wrdreg s17  }
0x2e: {  	[dreg:$0x4] =	wrdreg $0x9  }
0x2f: {  	_ =	task.clear_ibuf [dreg:s7], $0x5FFFF;
	_ =	strace $0x90000046  }
0x30: {  	s29 =	simm.s32 $0x9;
	_ =	strace $0x80000048  }
0x31: {  	_ =	swait.ge [sflag:s29], $0x1  }
0x32: {  	[sflag:s29] =	ssyncadd.s32 $0xFFFFFFFF  }
0x33: {  	_ =	strace $0x90000048  }
0x34: {  	_ =	sfence  }
0x35: {  	s30 =	sld [smem:$0x0];
	_ =	sdelay $0x2  }
0x36: {  	s31 =	sshll.u32 s1, $0xD;
	s1 =	sshrl.u32 s1, $0x2  }
0x37: {  	s3 =	sand.u32 $0x4000, s31;
	s1 =	sadd.s32 s1, s30  }
0x38: {  	s0 =	sor.u32 s3, s0;
	s1 =	sshll.u32 s1, $0x11  }
0x39: {  	s0 =	sor.u32 s1, s0  }
0x3a: {  	s0 =	sadd.s32 $0x8F2B, s0  }
0x3b: {  	[sflag:s0] =	ssyncadd.remote.s32 $0x1  }
0x3c: {  	_ =	sfence.sel $0xFFFF  }
0x3d: {  	[dreg:$0x0] =	wrdreg $0xFFFFFFFF;
	(pc) =	sbr.abs _section_cstart, $3  }
0x3e: {  	[dreg:$0x1] =	wrdreg $0xFFFFFFFF  }
0x3f: {  	_ =	task.clear_ibuf [dreg:s7], $0x2FFFF;
	_ =	strace $0x9FFFFFFF  }
0x40: {  	(tm) =	ssettm $0x7FFFFFFF  }
0x41: {  	_ =	shalt  }
tec
execute0_lowered:
.L_overlay_start_1:
0x0: {  	(tag) =	ssettag $0x1  }
0x1: {  	s4 =	rddreg [dreg:$0x0]  }
0x2: {  	s0 =	stileid.u32;
	s2 =	rddreg [dreg:$0x1]  }
0x3: {  	s1 =	rddreg [dreg:$0x2];
	_ =	strace $0x80000047;
	s5 =	srdreg.scid  }
0x4: {  	s31 =	simm.s32 $0x2;
	s14 =	simm.s32 $0x0;
	s9 =	simm.s32 $0x4000  }
0x5: {  	s16 =	simm.s32 $0x0;
	s15 =	simm.s32 $0x0;
	s3 =	sshll.u32 s0, $0x7  }
0x6: {  	s10 =	simm.s32 $0x0;
	s5 =	sshll.u32 s5, $0x4;
	s3 =	sand.u32 $0x180, s3  }
0x7: {  	s13 =	simm.s32 $0x0;
	s5 =	sand.u32 $0x10, s5;
	s6 =	ssub.s32 $0x200, s3  }
0x8: {  	s4 =	sadd.s32 $0x1000, s4;
	s5 =	sor.u32 s0, s5;
	s7 =	sand.u32 $0x180, s6  }
.Ltmp0:
0x9: {  	p0 =	sne.s32 s7, $0x0;
	s7 =	simm.s32 $0x1;
	(pc) =	sbr.rel .LBB1_1-.Ltmp0, $4  }
0xa: {  	s12 =	smov.u32 s3;
	s8 =	sshrl.u32 s6, $0x9;
	s7 =	simm.s32 @!p0 $0x0  }
0xb: {  	s5 =	sshrl.u32 s5, $0x2;
	s6 =	simm.s32 $0x1;
	s7 =	sadd.s32 s7, s8  }
0xc: {  	[sflag:s6] =	ssyncpa.u1 $0x0;
	s11 =	smov.u32 s5;
	s7 =	sshll.u32 s7, $0x4  }
0xd: {  	[sflag:s31] =	ssyncpa.u1 $0x0;
	p0 =	por $0x0, $0x0;
	s8 =	sor.u32 $0x1, s7  }
.LBB1_4:
0xe: {  	v5 =	vld [tilespmem:s19+$0xFFFFFFD0];
	[tilespmem:s20+$0x2040 ss:$0x81] =	vst.msk $0xffff, v1  }
0xf: {  	v58 =	vld [tilespmem:s19+$0xFFFFFFE0];
	[tilespmem:s20+$0x2850 ss:$0x81] =	vst.msk $0xffff, v2  }
0x10: {  	s21 =	sshra.s32 s21, $0x2;
	v59 =	vld [tilespmem:s19+$0xFFFFFFF0];
	[tilespmem:s20+$0x3060 ss:$0x81] =	vst.msk $0xffff, v3  }
0x11: {  	v60 =	vld [tilespmem:s19+$0x0];
	[tilespmem:s20+$0x0 ss:$0x81] =	vst.msk $0xffff, v0;
	s18 =	sadd.s32 s21, s18  }
0x12: {  	v61 =	vld [tilespmem:s19+$0x10];
	s25 =	sshll.u32 s16, $0x9;
	[tilespmem:s18+$0x3870 ss:$0x81] =	vst.msk $0xffff, v4  }
0x13: {  	s26 =	sshll.u32 s15, $0x3;
	v62 =	vld [tilespmem:s19+$0x20];
	s27 =	sshll.u32 s16, $0x7;
	s30 =	sand.u32 $0x78, s15;
	[tilespmem:s18+$0x810 ss:$0x81] =	vst.msk $0xffff, v5  }
0x14: {  	v63 =	vld [tilespmem:s19+$0xFFFFFFC0];
	s14 =	sshll.u32 s14, $0xB;
	s20 =	sand.u32 $0x3000, s25;
	s21 =	sand.u32 $0x3C00, s26;
	[tilespmem:s18+$0x1020 ss:$0x81] =	vst.msk $0xffff, v58  }
0x15: {  	s29 =	sand.u32 $0x200, s27;
	s16 =	sand.u32 $0x180, s27;
	s28 =	sadd.s32 s21, s20;
	[tilespmem:s18+$0x1830 ss:$0x81] =	vst.msk $0xffff, v59  }
0x16: {  	s31 =	sand.u32 $0x7, s15;
	s16 =	sor.u32 s30, s16;
	s19 =	sor.u32 s29, s28;
	[tilespmem:s18+$0x2040 ss:$0x81] =	vst.msk $0xffff, v60  }
0x17: {  	s14 =	sadd.s32 s2, s14;
	s16 =	sshrl.u32 s16, $0x3;
	s19 =	sshrl.u32 s19, $0x3;
	[tilespmem:s18+$0x2850 ss:$0x81] =	vst.msk $0xffff, v61  }
0x18: {  	s15 =	sshll.u32 s31, $0x12;
	s14 =	sadd.s32 s16, s14;
	[tilespmem:s18+$0x3060 ss:$0x81] =	vst.msk $0xffff, v62;
	s19 =	sand.u32 $0x7C0, s19  }
0x19: {  	s15 =	sor.u32 $0x80, s15;
	[tilespmem:s18+$0x0 ss:$0x81] =	vst.msk $0xffff, v63;
	s14 =	sadd.s32 s19, s14  }
0x1a: {  	[hbm4b:s14+s15] =	stream.strided.scatter [tilespmem:s17], [sflag:$0x2], $0x4000, s9, s15, $0x20;
	[tilespmem:$0x10100] =	vst v63  }
.LBB1_5:
0x1b: {  	s17 =	sadd.s32 $0x80, s10  }
0x1c: {  	s14 =	sadd.s32 $0x8, s11;
	s18 =	smov.u32 s11;
	p2 =	sgt.s32 s17, $0x1FF  }
0x1d: {  	s18 =	smov.u32 @p2 s14  }
0x1e: {  	s20 =	smov.u32 s12;
	s14 =	sadd.s32 $0x200, s12;
	p3 =	sgt.s32 s18, $0x1F  }
0x1f: {  	s20 =	smov.u32 @p3 s14  }
0x20: {  	s17 =	simm.s32 @p2 $0x0;
	p2 =	sgt.s32 s20, $0x1FF  }
0x21: {  	p1 =	slt.u32 s13, $0x2;
	s20 =	smov.u32 @p2 s3;
	p2 =	sne.s32 s13, s8  }
.Ltmp1:
0x22: {  	s19 =	simm.s32 @!p1 $0x2;
	(pc) =	sbr.rel @!p2 .LBB1_6-.Ltmp1, $4  }
0x23: {  	s16 =	smov.u32 s11;
	s15 =	smov.u32 s12;
	_ =	swait.ge @!p1 [sflag:s19], $0x4000  }
0x24: {  	p0 =	por !p0, !p0;
	[sflag:s19] =	ssyncset.done @!p1 $0x0;
	s18 =	smov.u32 @p3 s5  }
0x25: {  	s14 =	smov.u32 s10;
	[sflag:s19] =	ssyncadd.s32 @!p1 $0xFFFFC000;
	s10 =	smov.u32 s17  }
0x26: {  	s11 =	smov.u32 s18;
	s13 =	sadd.s32 $0x1, s13;
	s12 =	smov.u32 s20  }
.LBB1_1:
0x27: {  	p1 =	sge.u32 s13, s7  }
0x28: {  	s31 =	sadd.s32 $0xFFFFFFFF, s13;
	s17 =	sxor.u32 @!p1 $0xFFFFFFFF, s13  }
0x29: {  	s18 =	sshll.u32 @!p1 s11, $0x9;
	s19 =	sshll.u32 @!p1 s10, $0x3;
	s20 =	sshll.u32 @!p1 s11, $0x7  }
0x2a: {  	s21 =	sand.u32 @!p1 $0x78, s10;
	s18 =	sand.u32 @!p1 $0x3000, s18;
	s19 =	sand.u32 @!p1 $0x3C00, s19  }
0x2b: {  	s17 =	sshll.u32 @!p1 s17, $0xE;
	s18 =	sadd.s32 @!p1 s18, s19;
	s19 =	sand.u32 @!p1 $0x200, s20  }
0x2c: {  	s17 =	sand.u32 @!p1 $0x4000, s17;
	s18 =	sor.u32 @!p1 s19, s18;
	s19 =	sand.u32 @!p1 $0x180, s20  }
0x2d: {  	s20 =	sshll.u32 @!p1 s12, $0xB;
	s19 =	sor.u32 @!p1 s21, s19;
	s18 =	sshrl.u32 @!p1 s18, $0x3  }
0x2e: {  	s20 =	sadd.s32 @!p1 s4, s20;
	s21 =	sand.u32 @!p1 $0x7, s10;
	s19 =	sshrl.u32 @!p1 s19, $0x3  }
0x2f: {  	s18 =	sand.u32 @!p1 $0x7C0, s18;
	s19 =	sadd.s32 @!p1 s19, s20;
	s20 =	sshll.u32 @!p1 s21, $0x12  }
0x30: {  	s18 =	sadd.s32 @!p1 s18, s19;
	s19 =	sor.u32 @!p1 $0x80, s20;
	s20 =	simm.s32 @!p1 $0x4000  }
0x31: {  	[tilespmem:s17], [sflag:$0x1] =	stream.strided.gather @!p1 [hbm4b:s18+s19], $0x4000, s20, s19, $0x38;
	[tilespmem:$0x10100] =	vst v63  }
0x32: {  	p1 =	sge.u32 s31, s7  }
.Ltmp2:
0x33: {  	_ = 	snop;
	(pc) =	sbr.rel @p1 .LBB1_5-.Ltmp2, $1  }
0x34: {  	_ =	sdelay $0x3  }
0x35: {  	s17 =	simm.s32 $0x1  }
0x36: {  	_ =	swait.ge [sflag:s6], $0x4000;
	s17 =	simm.s32 @!p0 $0x0  }
0x37: {  	[sflag:s6] =	ssyncset.done $0x0;
	s18 =	sshll.u32 s17, $0xE  }
0x38: {  	[sflag:s6] =	ssyncadd.s32 $0xFFFFC000;
	s19 =	sor.u32 $0x40, s18  }
0x39: {  	s17 =	smul.u32 $0x10200, s17;
	v0 =	vld [tilespmem:s19+$0x30]  }
0x3a: {  	v3 =	vld [tilespmem:s19+$0xFFFFFFD0]  }
0x3b: {  	s17 =	sshrl.u32 s17, $0x2;
	v4 =	vld [tilespmem:s19+$0xFFFFFFE0]  }
0x3c: {  	v5 =	vld [tilespmem:s19+$0xFFFFFFF0];
	s18 =	sor.u32 $0x8000, s17  }
0x3d: {  	s31 =	sand.u32 $0x1, s13;
	v1 =	vld [tilespmem:s19+$0x0];
	s20 =	sadd.s32 $0x0, s18  }
0x3e: {  	v2 =	vld [tilespmem:s19+$0x10];
	s17 =	smul.u32 $0x10200, s31;
	[tilespmem:s20+$0x3870 ss:$0x81] =	vst.msk $0xffff, v0  }
0x3f: {  	[tilespmem:s20+$0x810 ss:$0x81] =	vst.msk $0xffff, v3;
	v3 =	vld [tilespmem:s19+$0x20]  }
0x40: {  	s17 =	sshrl.u32 s17, $0x2;
	v0 =	vld [tilespmem:s19+$0xFFFFFFC0];
	[tilespmem:s20+$0x1020 ss:$0x81] =	vst.msk $0xffff, v4;
	s19 =	sadd.s32 $0x80, s19  }
0x41: {  	s21 =	simm.s32 $0x4;
	s22 =	simm.s32 $0x8;
	s17 =	sor.u32 $0x8000, s17;
	[tilespmem:s20+$0x1830 ss:$0x81] =	vst.msk $0xffff, v5;
	v4 =	vld [tilespmem:s19+$0x30]  }
.LBB1_3:
0x42: {  	p1 =	sne.s32 s22, $0x1FC;
	v5 =	vld [tilespmem:s19+$0xFFFFFFD0];
	[tilespmem:s20+$0x2040 ss:$0x81] =	vst.msk $0xffff, v1  }
0x43: {  	v6 =	vld [tilespmem:s19+$0xFFFFFFE0];
	[tilespmem:s20+$0x2850 ss:$0x81] =	vst.msk $0xffff, v2  }
0x44: {  	s23 =	sshra.s32 s21, $0x2;
	s21 =	smov.u32 s22;
	v7 =	vld [tilespmem:s19+$0xFFFFFFF0];
	[tilespmem:s20+$0x3060 ss:$0x81] =	vst.msk $0xffff, v3  }
.Ltmp3:
0x45: {  	v1 =	vld [tilespmem:s19+$0x0];
	[tilespmem:s20+$0x0 ss:$0x81] =	vst.msk $0xffff, v0;
	s20 =	sadd.s32 s23, s18;
	(pc) =	sbr.rel @p1 .LBB1_3-.Ltmp3, $4  }
0x46: {  	v2 =	vld [tilespmem:s19+$0x10];
	[tilespmem:s20+$0x3870 ss:$0x81] =	vst.msk $0xffff, v4  }
0x47: {  	[tilespmem:s20+$0x810 ss:$0x81] =	vst.msk $0xffff, v5;
	v3 =	vld [tilespmem:s19+$0x20]  }
0x48: {  	v0 =	vld [tilespmem:s19+$0xFFFFFFC0];
	[tilespmem:s20+$0x1020 ss:$0x81] =	vst.msk $0xffff, v6;
	s19 =	sadd.s32 $0x80, s19  }
0x49: {  	s22 =	sadd.s32 $0x4, s22;
	v4 =	vld [tilespmem:s19+$0x30];
	[tilespmem:s20+$0x1830 ss:$0x81] =	vst.msk $0xffff, v7  }
.Ltmp4:
0x4a: {  	_ = 	snop;
	(pc) =	sbr.rel .LBB1_4-.Ltmp4, $1  }
0x4b: {  	_ =	sdelay $0x3  }
.LBB1_6:
0x4c: {  	_ =	sfence.sel $0x180000  }
0x4d: {  	s2 =	simm.s32 $0x1;
	[bflag:$0x0] =	sbarrier.arrive $0xFFFF  }
0x4e: {  	s31 =	simm.s32 $0x2;
	[sflag:s2] =	ssyncpa.u1 $0x1  }
0x4f: {  	[sflag:s31] =	ssyncpa.u1 $0x1  }
0x50: {  	p0 =	sne.s32 s0, $0x0;
	_ =	strace $0x90000047  }
0x51: {  	s0 =	sadd.s32 @!p0 $0x100000, s1;
	[bflag:$0x2] =	sbarrier.arrive $0xFFFF  }
0x52: {  	[sflag:s0] =	ssyncadd.tile.s32 @!p0 $0x1;
	_ =	shalt  }
.Lfunc_end1:
_tile_overlayer_lowered:
.L_overlay_start_2:
0x53: {  	(tag) =	ssettag $0x2  }
0x54: {  	s0 =	rddreg [dreg:$0x0];
	s2 =	stileid.u32  }
0x55: {  	s1 =	rddreg [dreg:$0x1];
	p0 =	sne.s32 s2, $0x0  }
0x56: {  	s3 =	rddreg [dreg:$0x2];
	[bflag:$0x3] =	sbarrier.arrive $0xFFFF;
	s2 =	simm.s32 @!p0 $0x1C01  }
0x57: {  	[timem:s3], [sflag:s2] =	dma.local @!p0 [hbm:s0], s1  }
0x58: {  	s0 =	simm.s32 @!p0 $0x1  }
0x59: {  	_ =	swait.ge @!p0 [sflag:s0], s1  }
0x5a: {  	s1 =	ssub.s32 @!p0 $0x0, s1;
	[sflag:s0] =	ssyncset.done @!p0 $0x0  }
0x5b: {  	[sflag:s0] =	ssyncadd.s32 @!p0 s1  }
0x5c: {  	[bflag:$0x3] =	sbarrier.arrive $0xFFFF  }
0x5d: {  	_ =	shalt  }

</sc_bundles>
